<compile_context>
chip_gen: v7x
topology: tpu7x:2x2x1
jax: 0.10.2.dev20260603
libtpu: 0.0.44.dev20260713+nightly
codegen_flags: <defaults>
</compile_context>

<pallas_src>
import functools

import jax
import jax.numpy as jnp
from jax import lax
from jax.experimental import pallas as pl
from jax.experimental.pallas import tpu as pltpu
from jax.experimental.pallas import tpu_sc as plsc

N = 10000
E = 320000
D = 128
G = 64

NC = 2
NS = 16
NW = NC * NS
T = E // NW
K = 80
NCH = T // K
NZ = 5
RPZ = N // NZ

_sc_mesh = plsc.VectorSubcoreMesh(core_axis_name="c", subcore_axis_name="s")


@functools.partial(
    pl.kernel,
    mesh=_sc_mesh,
    out_type=jax.ShapeDtypeStruct((NC, N, D), jnp.float32),
    scratch_types=[
        pltpu.VMEM((NCH, K), jnp.int32),
        pltpu.VMEM((NCH, K), jnp.int32),
        pltpu.VMEM((K, D), jnp.float32),
        pltpu.VMEM_SHARED((N, D), jnp.float32),
        pltpu.SemaphoreType.DMA,
    ],
)
def _sc_scatter(g_hbm, src_hbm, dst_hbm, out_hbm, src_v, dst_v, buf, acc, sem):
    c = lax.axis_index("c")
    s = lax.axis_index("s")
    wid = c * NS + s

    pltpu.sync_copy(src_hbm.at[wid], src_v)
    pltpu.sync_copy(dst_hbm.at[wid], dst_v)

    zero = jnp.zeros((16,), jnp.float32)

    @pl.when(s < NZ)
    def _zero():
        def zrow(i, carry):
            for kk in range(D // 16):
                buf[i, pl.ds(kk * 16, 16)] = zero
            return carry

        lax.fori_loop(0, K, zrow, 0)
        for r in range(RPZ // K):
            pltpu.sync_copy(buf, acc.at[pl.ds(s * RPZ + r * K, K)])

    plsc.subcore_barrier()

    def chunk(j, carry):
        pltpu.async_copy(g_hbm.at[src_v.at[j]], buf, sem).wait()
        pltpu.sync_copy(buf, acc.at[dst_v.at[j]], add=True)
        return carry

    lax.fori_loop(0, NCH, chunk, 0)
    plsc.subcore_barrier()

    @pl.when(s < NZ)
    def _readout():
        pltpu.sync_copy(acc.at[pl.ds(s * RPZ, RPZ)], out_hbm.at[c, pl.ds(s * RPZ, RPZ)])


BR = 1000


def _mm2_body(x_ref, wr_ref, wn_ref, r_ref, g_ref):
    xb = x_ref[...]
    r_ref[...] = jnp.dot(xb, wr_ref[...], preferred_element_type=jnp.float32)
    g_ref[...] = jnp.dot(xb, wn_ref[...], preferred_element_type=jnp.float32)


def _fuse_mm2_body(r_ref, a0_ref, a1_ref, wr_ref, wn_ref, r2_ref, g2_ref):
    h = jnp.maximum(r_ref[...] + a0_ref[...] + a1_ref[...], 0.0)
    r2_ref[...] = jnp.dot(h, wr_ref[...], preferred_element_type=jnp.float32)
    g2_ref[...] = jnp.dot(h, wn_ref[...], preferred_element_type=jnp.float32)


def _pool_out_body(r2_ref, a0_ref, a1_ref, b_ref, wout_ref, o_ref):
    h = jnp.maximum(r2_ref[...] + a0_ref[...] + a1_ref[...], 0.0)
    lbl = lax.broadcasted_iota(jnp.int32, (G, N), 0).astype(jnp.float32)
    oh = (lbl == b_ref[...]).astype(jnp.float32)
    sums = jnp.dot(oh, h, preferred_element_type=jnp.float32)
    cnt = jnp.sum(oh, axis=1, keepdims=True)
    pooled = sums / jnp.maximum(cnt, 1.0)
    o_ref[...] = jnp.dot(pooled, wout_ref[...], preferred_element_type=jnp.float32)


_row_spec = pl.BlockSpec((BR, D), lambda i: (i, 0))
_w_spec = pl.BlockSpec((D, D), lambda i: (0, 0))
_nd_shape = jax.ShapeDtypeStruct((N, D), jnp.float32)

_mm2 = pl.pallas_call(
    _mm2_body,
    grid=(N // BR,),
    in_specs=[_row_spec, _w_spec, _w_spec],
    out_specs=[_row_spec, _row_spec],
    out_shape=[_nd_shape, _nd_shape],
)

_fuse_mm2 = pl.pallas_call(
    _fuse_mm2_body,
    grid=(N // BR,),
    in_specs=[_row_spec, _row_spec, _row_spec, _w_spec, _w_spec],
    out_specs=[_row_spec, _row_spec],
    out_shape=[_nd_shape, _nd_shape],
)

_pool_out = pl.pallas_call(
    _pool_out_body,
    out_shape=jax.ShapeDtypeStruct((G, D), jnp.float32),
)


def kernel(x, edge_index, batch, W_root1, W_nbr1, W_root2, W_nbr2, W_out):
    src = edge_index[0].astype(jnp.int32).reshape(NW, NCH, K)
    dst = edge_index[1].astype(jnp.int32).reshape(NW, NCH, K)
    b_row = batch.astype(jnp.float32).reshape(1, N)

    r1, g1 = _mm2(x, W_root1, W_nbr1)
    agg1 = _sc_scatter(g1, src, dst)
    r2, g2 = _fuse_mm2(r1, agg1[0], agg1[1], W_root2, W_nbr2)
    agg2 = _sc_scatter(g2, src, dst)
    return _pool_out(r2, agg2[0], agg2[1], b_row, W_out)

# --- scband reference (transcript-rebuilt; emitter-appended) ---
"""Pipeline reference for scband-graph-model-31275951850041 (READ-ONLY COPY).

The authoritative reference and input builder live on the scoring server;
editing this copy changes nothing except your own understanding.
"""

import jax, jax.numpy as jnp
import numpy as np

N_NODES = 10000
N_EDGES = 320000
D = 128
NUM_GRAPHS = 64

def setup_inputs(seed: int = 0) -> dict:
    key = jax.random.key(seed)
    ks = jax.random.split(key, 10)
    x = jax.random.normal(ks[0], (N_NODES, D), dtype=jnp.float32)
    edge_index = jax.random.randint(ks[1], (2, N_EDGES), 0, N_NODES, dtype=jnp.int64)
    batch = jnp.sort(jax.random.randint(ks[2], (N_NODES,), 0, NUM_GRAPHS, dtype=jnp.int64))
    scale = 1.0 / np.sqrt(D)
    W_root1 = jax.random.normal(ks[3], (D, D), dtype=jnp.float32) * scale
    W_nbr1 = jax.random.normal(ks[4], (D, D), dtype=jnp.float32) * scale
    W_root2 = jax.random.normal(ks[5], (D, D), dtype=jnp.float32) * scale
    W_nbr2 = jax.random.normal(ks[6], (D, D), dtype=jnp.float32) * scale
    W_out = jax.random.normal(ks[7], (D, D), dtype=jnp.float32) * scale
    return {"x": x, "edge_index": edge_index, "batch": batch,
            "W_root1": W_root1, "W_nbr1": W_nbr1,
            "W_root2": W_root2, "W_nbr2": W_nbr2, "W_out": W_out}

def reference(x, edge_index, batch, W_root1, W_nbr1, W_root2, W_nbr2, W_out):
    # GraphModel.forward: stacked GraphConv (aggr='add') + ReLU, global_mean_pool, linear readout (no bias)
    src = edge_index[0]
    dst = edge_index[1]
    h = x
    for (Wr, Wn) in ((W_root1, W_nbr1), (W_root2, W_nbr2)):
        # GraphConv: h_i' = W_root h_i + W_nbr * sum_{j in N(i)} h_j
        msgs = jnp.take(h, src, axis=0)                      # gather [E, D]
        agg = jax.ops.segment_sum(msgs, dst, num_segments=N_NODES)  # scatter-add
        h = h @ Wr + agg @ Wn
        h = jax.nn.relu(h)
    # global_mean_pool over batch ids
    sums = jax.ops.segment_sum(h, batch, num_segments=NUM_GRAPHS)
    counts = jax.ops.segment_sum(jnp.ones((N_NODES,), dtype=jnp.float32), batch, num_segments=NUM_GRAPHS)
    pooled = sums / jnp.maximum(counts, 1.0)[:, None]
    out = pooled @ W_out
    return out

if __name__ == "__main__":
    import jax
    _d = setup_inputs()
    print(jax.jit(kernel)(*tuple(_d.values())))

</pallas_src>

<mosaic_0001>
#map = affine_map<(d0, d1) -> (0, 0)>
#map1 = affine_map<(d0, d1) -> (0, 0, 0)>
module attributes {stable_mosaic.version = 14 : i64} {
  func.func @_sc_scatter(%arg0: i32, %arg1: i32, %arg2: memref<10000x128xf32, #tpu.memory_space<hbm>>, %arg3: memref<32x125x80xi32, #tpu.memory_space<hbm>>, %arg4: memref<32x125x80xi32, #tpu.memory_space<hbm>>, %arg5: memref<2x10000x128xf32, #tpu.memory_space<hbm>>, %arg6: memref<125x80xi32, #tpu.memory_space<vmem>>, %arg7: memref<125x80xi32, #tpu.memory_space<vmem>>, %arg8: memref<80x128xf32, #tpu.memory_space<vmem>>, %arg9: memref<10000x128xf32, #tpu.memory_space<vmem_shared>>, %arg10: memref<!tpu.dma_semaphore, #tpu.memory_space<semaphore_mem>>) attributes {dimension_semantics = [#tpu.dimension_semantics<core_parallel>, #tpu.dimension_semantics<subcore_parallel>], iteration_bounds = array<i64: 2, 16>, scalar_prefetch = 0 : i64, scratch_operands = 5 : i64, tpu.core_type = #tpu.core_type<sc_vector_subcore>, window_params = [{transform_indices = #map}, {transform_indices = #map1}, {transform_indices = #map1}, {transform_indices = #map1}]} {
    %mul3A = arith.constant 16 : i32
    %mul3A_0 = arith.muli %arg0, %mul3A : i32
    %add3A = arith.addi %mul3A_0, %arg1 : i32
    "tpu.region"() ({
      %run_scoped3A = tpu.sem_alloc : memref<!tpu.dma_semaphore, #tpu.memory_space<semaphore_mem>>
      %dma_start3A = arith.constant 0 : i32
      %dma_start3A_15 = arith.constant 0 : i32
      %dma_start3A_16 = tpu.memref_slice %arg3[%add3A, %dma_start3A, %dma_start3A_15] : memref<32x125x80xi32, #tpu.memory_space<hbm>> -> memref<1x125x80xi32, #tpu.memory_space<hbm>>
      %dma_start3A_17 = tpu.memref_squeeze %dma_start3A_16 : memref<1x125x80xi32, #tpu.memory_space<hbm>> -> memref<125x80xi32, #tpu.memory_space<hbm>>
      %dma_start3A_18 = arith.constant 0 : i32
      %dma_start3A_19 = arith.constant 0 : i32
      %dma_start3A_20 = tpu.memref_slice %arg3[%add3A, %dma_start3A_18, %dma_start3A_19] : memref<32x125x80xi32, #tpu.memory_space<hbm>> -> memref<1x125x80xi32, #tpu.memory_space<hbm>>
      %dma_start3A_21 = tpu.memref_squeeze %dma_start3A_20 : memref<1x125x80xi32, #tpu.memory_space<hbm>> -> memref<125x80xi32, #tpu.memory_space<hbm>>
      tpu.enqueue_dma source(%dma_start3A_21 : memref<125x80xi32, #tpu.memory_space<hbm>>) target(%arg6 : memref<125x80xi32, #tpu.memory_space<vmem>>) target_semaphore(%run_scoped3A : memref<!tpu.dma_semaphore, #tpu.memory_space<semaphore_mem>>)
      %dma_wait3A = arith.constant 0 : i32
      %dma_wait3A_22 = arith.constant 0 : i32
      %dma_wait3A_23 = tpu.memref_slice %arg3[%add3A, %dma_wait3A, %dma_wait3A_22] : memref<32x125x80xi32, #tpu.memory_space<hbm>> -> memref<1x125x80xi32, #tpu.memory_space<hbm>>
      %dma_wait3A_24 = tpu.memref_squeeze %dma_wait3A_23 : memref<1x125x80xi32, #tpu.memory_space<hbm>> -> memref<125x80xi32, #tpu.memory_space<hbm>>
      %dma_wait3A_25 = arith.constant 0 : i32
      %dma_wait3A_26 = arith.constant 0 : i32
      %dma_wait3A_27 = tpu.memref_slice %arg3[%add3A, %dma_wait3A_25, %dma_wait3A_26] : memref<32x125x80xi32, #tpu.memory_space<hbm>> -> memref<1x125x80xi32, #tpu.memory_space<hbm>>
      %dma_wait3A_28 = tpu.memref_squeeze %dma_wait3A_27 : memref<1x125x80xi32, #tpu.memory_space<hbm>> -> memref<125x80xi32, #tpu.memory_space<hbm>>
      tpu.wait_dma2 semaphore(%run_scoped3A : memref<!tpu.dma_semaphore, #tpu.memory_space<semaphore_mem>>) src(%dma_wait3A_28 : memref<125x80xi32, #tpu.memory_space<hbm>>) dst(%arg6 : memref<125x80xi32, #tpu.memory_space<vmem>>)
      tpu.yield
    }) : () -> ()
    "tpu.region"() ({
      %run_scoped3A = tpu.sem_alloc : memref<!tpu.dma_semaphore, #tpu.memory_space<semaphore_mem>>
      %dma_start3A = arith.constant 0 : i32
      %dma_start3A_15 = arith.constant 0 : i32
      %dma_start3A_16 = tpu.memref_slice %arg4[%add3A, %dma_start3A, %dma_start3A_15] : memref<32x125x80xi32, #tpu.memory_space<hbm>> -> memref<1x125x80xi32, #tpu.memory_space<hbm>>
      %dma_start3A_17 = tpu.memref_squeeze %dma_start3A_16 : memref<1x125x80xi32, #tpu.memory_space<hbm>> -> memref<125x80xi32, #tpu.memory_space<hbm>>
      %dma_start3A_18 = arith.constant 0 : i32
      %dma_start3A_19 = arith.constant 0 : i32
      %dma_start3A_20 = tpu.memref_slice %arg4[%add3A, %dma_start3A_18, %dma_start3A_19] : memref<32x125x80xi32, #tpu.memory_space<hbm>> -> memref<1x125x80xi32, #tpu.memory_space<hbm>>
      %dma_start3A_21 = tpu.memref_squeeze %dma_start3A_20 : memref<1x125x80xi32, #tpu.memory_space<hbm>> -> memref<125x80xi32, #tpu.memory_space<hbm>>
      tpu.enqueue_dma source(%dma_start3A_21 : memref<125x80xi32, #tpu.memory_space<hbm>>) target(%arg7 : memref<125x80xi32, #tpu.memory_space<vmem>>) target_semaphore(%run_scoped3A : memref<!tpu.dma_semaphore, #tpu.memory_space<semaphore_mem>>)
      %dma_wait3A = arith.constant 0 : i32
      %dma_wait3A_22 = arith.constant 0 : i32
      %dma_wait3A_23 = tpu.memref_slice %arg4[%add3A, %dma_wait3A, %dma_wait3A_22] : memref<32x125x80xi32, #tpu.memory_space<hbm>> -> memref<1x125x80xi32, #tpu.memory_space<hbm>>
      %dma_wait3A_24 = tpu.memref_squeeze %dma_wait3A_23 : memref<1x125x80xi32, #tpu.memory_space<hbm>> -> memref<125x80xi32, #tpu.memory_space<hbm>>
      %dma_wait3A_25 = arith.constant 0 : i32
      %dma_wait3A_26 = arith.constant 0 : i32
      %dma_wait3A_27 = tpu.memref_slice %arg4[%add3A, %dma_wait3A_25, %dma_wait3A_26] : memref<32x125x80xi32, #tpu.memory_space<hbm>> -> memref<1x125x80xi32, #tpu.memory_space<hbm>>
      %dma_wait3A_28 = tpu.memref_squeeze %dma_wait3A_27 : memref<1x125x80xi32, #tpu.memory_space<hbm>> -> memref<125x80xi32, #tpu.memory_space<hbm>>
      tpu.wait_dma2 semaphore(%run_scoped3A : memref<!tpu.dma_semaphore, #tpu.memory_space<semaphore_mem>>) src(%dma_wait3A_28 : memref<125x80xi32, #tpu.memory_space<hbm>>) dst(%arg7 : memref<125x80xi32, #tpu.memory_space<vmem>>)
      tpu.yield
    }) : () -> ()
    %broadcast_in_dim3A = arith.constant 0.000000e+00 : f32
    %broadcast_in_dim3A_1 = vector.broadcast %broadcast_in_dim3A : f32 to vector<16xf32>
    %lt3A = arith.constant 5 : i32
    %lt3A_2 = arith.cmpi slt, %arg1, %lt3A : i32
    %convert_element_type3A = arith.extui %lt3A_2 : i1 to i32
    %cond3A = arith.constant 0 : i32
    %cond3A_3 = arith.cmpi ne, %convert_element_type3A, %cond3A : i32
    scf.if %cond3A_3 {
      %scan3A_15 = arith.constant 0 : i32
      %scan3A_16 = arith.constant 0 : i32
      %scan3A_17 = arith.constant 80 : i32
      %scan3A_18 = arith.addi %scan3A_16, %scan3A_17 : i32
      %scan3A_19 = arith.constant 1 : i32
      scf.for %scan3A_121 = %scan3A_16 to %scan3A_18 step %scan3A_19  : i32 {
        %swap3A = arith.index_cast %scan3A_121 : i32 to index
        %swap3A_122 = arith.constant 0 : index
        %swap3A_123 = tpu.vector_load %arg8[%swap3A, %swap3A_122] {strides = array<i32>} : memref<80x128xf32, #tpu.memory_space<vmem>>, vector<1x16xf32>,
        %swap3A_124 = vector.shape_cast %swap3A_123 : vector<1x16xf32> to vector<16xf32>
        %swap3A_125 = vector.shape_cast %broadcast_in_dim3A_1 : vector<16xf32> to vector<1x16xf32>
        tpu.vector_store %arg8[%swap3A, %swap3A_122], %swap3A_125 {strides = array<i32>} : memref<80x128xf32, #tpu.memory_space<vmem>>, vector<1x16xf32>,
        %swap3A_126 = arith.index_cast %scan3A_121 : i32 to index
        %swap3A_127 = arith.constant 16 : index
        %swap3A_128 = tpu.vector_load %arg8[%swap3A_126, %swap3A_127] {strides = array<i32>} : memref<80x128xf32, #tpu.memory_space<vmem>>, vector<1x16xf32>,
        %swap3A_129 = vector.shape_cast %swap3A_128 : vector<1x16xf32> to vector<16xf32>
        %swap3A_130 = vector.shape_cast %broadcast_in_dim3A_1 : vector<16xf32> to vector<1x16xf32>
        tpu.vector_store %arg8[%swap3A_126, %swap3A_127], %swap3A_130 {strides = array<i32>} : memref<80x128xf32, #tpu.memory_space<vmem>>, vector<1x16xf32>,
        %swap3A_131 = arith.index_cast %scan3A_121 : i32 to index
        %swap3A_132 = arith.constant 32 : index
        %swap3A_133 = tpu.vector_load %arg8[%swap3A_131, %swap3A_132] {strides = array<i32>} : memref<80x128xf32, #tpu.memory_space<vmem>>, vector<1x16xf32>,
        %swap3A_134 = vector.shape_cast %swap3A_133 : vector<1x16xf32> to vector<16xf32>
        %swap3A_135 = vector.shape_cast %broadcast_in_dim3A_1 : vector<16xf32> to vector<1x16xf32>
        tpu.vector_store %arg8[%swap3A_131, %swap3A_132], %swap3A_135 {strides = array<i32>} : memref<80x128xf32, #tpu.memory_space<vmem>>, vector<1x16xf32>,
        %swap3A_136 = arith.index_cast %scan3A_121 : i32 to index
        %swap3A_137 = arith.constant 48 : index
        %swap3A_138 = tpu.vector_load %arg8[%swap3A_136, %swap3A_137] {strides = array<i32>} : memref<80x128xf32, #tpu.memory_space<vmem>>, vector<1x16xf32>,
        %swap3A_139 = vector.shape_cast %swap3A_138 : vector<1x16xf32> to vector<16xf32>
        %swap3A_140 = vector.shape_cast %broadcast_in_dim3A_1 : vector<16xf32> to vector<1x16xf32>
        tpu.vector_store %arg8[%swap3A_136, %swap3A_137], %swap3A_140 {strides = array<i32>} : memref<80x128xf32, #tpu.memory_space<vmem>>, vector<1x16xf32>,
        %swap3A_141 = arith.index_cast %scan3A_121 : i32 to index
        %swap3A_142 = arith.constant 64 : index
        %swap3A_143 = tpu.vector_load %arg8[%swap3A_141, %swap3A_142] {strides = array<i32>} : memref<80x128xf32, #tpu.memory_space<vmem>>, vector<1x16xf32>,
        %swap3A_144 = vector.shape_cast %swap3A_143 : vector<1x16xf32> to vector<16xf32>
        %swap3A_145 = vector.shape_cast %broadcast_in_dim3A_1 : vector<16xf32> to vector<1x16xf32>
        tpu.vector_store %arg8[%swap3A_141, %swap3A_142], %swap3A_145 {strides = array<i32>} : memref<80x128xf32, #tpu.memory_space<vmem>>, vector<1x16xf32>,
        %swap3A_146 = arith.index_cast %scan3A_121 : i32 to index
        %swap3A_147 = arith.constant 80 : index
        %swap3A_148 = tpu.vector_load %arg8[%swap3A_146, %swap3A_147] {strides = array<i32>} : memref<80x128xf32, #tpu.memory_space<vmem>>, vector<1x16xf32>,
        %swap3A_149 = vector.shape_cast %swap3A_148 : vector<1x16xf32> to vector<16xf32>
        %swap3A_150 = vector.shape_cast %broadcast_in_dim3A_1 : vector<16xf32> to vector<1x16xf32>
        tpu.vector_store %arg8[%swap3A_146, %swap3A_147], %swap3A_150 {strides = array<i32>} : memref<80x128xf32, #tpu.memory_space<vmem>>, vector<1x16xf32>,
        %swap3A_151 = arith.index_cast %scan3A_121 : i32 to index
        %swap3A_152 = arith.constant 96 : index
        %swap3A_153 = tpu.vector_load %arg8[%swap3A_151, %swap3A_152] {strides = array<i32>} : memref<80x128xf32, #tpu.memory_space<vmem>>, vector<1x16xf32>,
        %swap3A_154 = vector.shape_cast %swap3A_153 : vector<1x16xf32> to vector<16xf32>
        %swap3A_155 = vector.shape_cast %broadcast_in_dim3A_1 : vector<16xf32> to vector<1x16xf32>
        tpu.vector_store %arg8[%swap3A_151, %swap3A_152], %swap3A_155 {strides = array<i32>} : memref<80x128xf32, #tpu.memory_space<vmem>>, vector<1x16xf32>,
        %swap3A_156 = arith.index_cast %scan3A_121 : i32 to index
        %swap3A_157 = arith.constant 112 : index
        %swap3A_158 = tpu.vector_load %arg8[%swap3A_156, %swap3A_157] {strides = array<i32>} : memref<80x128xf32, #tpu.memory_space<vmem>>, vector<1x16xf32>,
        %swap3A_159 = vector.shape_cast %swap3A_158 : vector<1x16xf32> to vector<16xf32>
        %swap3A_160 = vector.shape_cast %broadcast_in_dim3A_1 : vector<16xf32> to vector<1x16xf32>
        tpu.vector_store %arg8[%swap3A_156, %swap3A_157], %swap3A_160 {strides = array<i32>} : memref<80x128xf32, #tpu.memory_space<vmem>>, vector<1x16xf32>,
      }
      %scan3A_20 = arith.constant 80 : i32
      %mul3A_21 = arith.constant 2000 : i32
      %mul3A_22 = arith.muli %arg1, %mul3A_21 : i32
      %add3A_23 = arith.constant 0 : i32
      %add3A_24 = arith.addi %mul3A_22, %add3A_23 : i32
      "tpu.region"() ({
        %run_scoped3A = tpu.sem_alloc : memref<!tpu.dma_semaphore, #tpu.memory_space<semaphore_mem>>
        %dma_start3A = arith.constant 0 : i32
        %dma_start3A_121 = tpu.memref_slice %arg9[%add3A_24, %dma_start3A] : memref<10000x128xf32, #tpu.memory_space<vmem_shared>> -> memref<80x128xf32, #tpu.memory_space<vmem_shared>>
        %dma_start3A_122 = arith.constant 0 : i32
        %dma_start3A_123 = tpu.memref_slice %arg9[%add3A_24, %dma_start3A_122] : memref<10000x128xf32, #tpu.memory_space<vmem_shared>> -> memref<80x128xf32, #tpu.memory_space<vmem_shared>>
        tpu.enqueue_dma source(%arg8 : memref<80x128xf32, #tpu.memory_space<vmem>>) target(%dma_start3A_123 : memref<80x128xf32, #tpu.memory_space<vmem_shared>>) target_semaphore(%run_scoped3A : memref<!tpu.dma_semaphore, #tpu.memory_space<semaphore_mem>>)
        %dma_wait3A = arith.constant 0 : i32
        %dma_wait3A_124 = tpu.memref_slice %arg9[%add3A_24, %dma_wait3A] : memref<10000x128xf32, #tpu.memory_space<vmem_shared>> -> memref<80x128xf32, #tpu.memory_space<vmem_shared>>
        %dma_wait3A_125 = arith.constant 0 : i32
        %dma_wait3A_126 = tpu.memref_slice %arg9[%add3A_24, %dma_wait3A_125] : memref<10000x128xf32, #tpu.memory_space<vmem_shared>> -> memref<80x128xf32, #tpu.memory_space<vmem_shared>>
        tpu.wait_dma2 semaphore(%run_scoped3A : memref<!tpu.dma_semaphore, #tpu.memory_space<semaphore_mem>>) src(%arg8 : memref<80x128xf32, #tpu.memory_space<vmem>>) dst(%dma_wait3A_126 : memref<80x128xf32, #tpu.memory_space<vmem_shared>>)
        tpu.yield
      }) : () -> ()
      %mul3A_25 = arith.constant 2000 : i32
      %mul3A_26 = arith.muli %arg1, %mul3A_25 : i32
      %add3A_27 = arith.constant 80 : i32
      %add3A_28 = arith.addi %mul3A_26, %add3A_27 : i32
      "tpu.region"() ({
        %run_scoped3A = tpu.sem_alloc : memref<!tpu.dma_semaphore, #tpu.memory_space<semaphore_mem>>
        %dma_start3A = arith.constant 0 : i32
        %dma_start3A_121 = tpu.memref_slice %arg9[%add3A_28, %dma_start3A] : memref<10000x128xf32, #tpu.memory_space<vmem_shared>> -> memref<80x128xf32, #tpu.memory_space<vmem_shared>>
        %dma_start3A_122 = arith.constant 0 : i32
        %dma_start3A_123 = tpu.memref_slice %arg9[%add3A_28, %dma_start3A_122] : memref<10000x128xf32, #tpu.memory_space<vmem_shared>> -> memref<80x128xf32, #tpu.memory_space<vmem_shared>>
        tpu.enqueue_dma source(%arg8 : memref<80x128xf32, #tpu.memory_space<vmem>>) target(%dma_start3A_123 : memref<80x128xf32, #tpu.memory_space<vmem_shared>>) target_semaphore(%run_scoped3A : memref<!tpu.dma_semaphore, #tpu.memory_space<semaphore_mem>>)
        %dma_wait3A = arith.constant 0 : i32
        %dma_wait3A_124 = tpu.memref_slice %arg9[%add3A_28, %dma_wait3A] : memref<10000x128xf32, #tpu.memory_space<vmem_shared>> -> memref<80x128xf32, #tpu.memory_space<vmem_shared>>
        %dma_wait3A_125 = arith.constant 0 : i32
        %dma_wait3A_126 = tpu.memref_slice %arg9[%add3A_28, %dma_wait3A_125] : memref<10000x128xf32, #tpu.memory_space<vmem_shared>> -> memref<80x128xf32, #tpu.memory_space<vmem_shared>>
        tpu.wait_dma2 semaphore(%run_scoped3A : memref<!tpu.dma_semaphore, #tpu.memory_space<semaphore_mem>>) src(%arg8 : memref<80x128xf32, #tpu.memory_space<vmem>>) dst(%dma_wait3A_126 : memref<80x128xf32, #tpu.memory_space<vmem_shared>>)
        tpu.yield
      }) : () -> ()
      %mul3A_29 = arith.constant 2000 : i32
      %mul3A_30 = arith.muli %arg1, %mul3A_29 : i32
      %add3A_31 = arith.constant 160 : i32
      %add3A_32 = arith.addi %mul3A_30, %add3A_31 : i32
      "tpu.region"() ({
        %run_scoped3A = tpu.sem_alloc : memref<!tpu.dma_semaphore, #tpu.memory_space<semaphore_mem>>
        %dma_start3A = arith.constant 0 : i32
        %dma_start3A_121 = tpu.memref_slice %arg9[%add3A_32, %dma_start3A] : memref<10000x128xf32, #tpu.memory_space<vmem_shared>> -> memref<80x128xf32, #tpu.memory_space<vmem_shared>>
        %dma_start3A_122 = arith.constant 0 : i32
        %dma_start3A_123 = tpu.memref_slice %arg9[%add3A_32, %dma_start3A_122] : memref<10000x128xf32, #tpu.memory_space<vmem_shared>> -> memref<80x128xf32, #tpu.memory_space<vmem_shared>>
        tpu.enqueue_dma source(%arg8 : memref<80x128xf32, #tpu.memory_space<vmem>>) target(%dma_start3A_123 : memref<80x128xf32, #tpu.memory_space<vmem_shared>>) target_semaphore(%run_scoped3A : memref<!tpu.dma_semaphore, #tpu.memory_space<semaphore_mem>>)
        %dma_wait3A = arith.constant 0 : i32
        %dma_wait3A_124 = tpu.memref_slice %arg9[%add3A_32, %dma_wait3A] : memref<10000x128xf32, #tpu.memory_space<vmem_shared>> -> memref<80x128xf32, #tpu.memory_space<vmem_shared>>
        %dma_wait3A_125 = arith.constant 0 : i32
        %dma_wait3A_126 = tpu.memref_slice %arg9[%add3A_32, %dma_wait3A_125] : memref<10000x128xf32, #tpu.memory_space<vmem_shared>> -> memref<80x128xf32, #tpu.memory_space<vmem_shared>>
        tpu.wait_dma2 semaphore(%run_scoped3A : memref<!tpu.dma_semaphore, #tpu.memory_space<semaphore_mem>>) src(%arg8 : memref<80x128xf32, #tpu.memory_space<vmem>>) dst(%dma_wait3A_126 : memref<80x128xf32, #tpu.memory_space<vmem_shared>>)
        tpu.yield
      }) : () -> ()
      %mul3A_33 = arith.constant 2000 : i32
      %mul3A_34 = arith.muli %arg1, %mul3A_33 : i32
      %add3A_35 = arith.constant 240 : i32
      %add3A_36 = arith.addi %mul3A_34, %add3A_35 : i32
      "tpu.region"() ({
        %run_scoped3A = tpu.sem_alloc : memref<!tpu.dma_semaphore, #tpu.memory_space<semaphore_mem>>
        %dma_start3A = arith.constant 0 : i32
        %dma_start3A_121 = tpu.memref_slice %arg9[%add3A_36, %dma_start3A] : memref<10000x128xf32, #tpu.memory_space<vmem_shared>> -> memref<80x128xf32, #tpu.memory_space<vmem_shared>>
        %dma_start3A_122 = arith.constant 0 : i32
        %dma_start3A_123 = tpu.memref_slice %arg9[%add3A_36, %dma_start3A_122] : memref<10000x128xf32, #tpu.memory_space<vmem_shared>> -> memref<80x128xf32, #tpu.memory_space<vmem_shared>>
        tpu.enqueue_dma source(%arg8 : memref<80x128xf32, #tpu.memory_space<vmem>>) target(%dma_start3A_123 : memref<80x128xf32, #tpu.memory_space<vmem_shared>>) target_semaphore(%run_scoped3A : memref<!tpu.dma_semaphore, #tpu.memory_space<semaphore_mem>>)
        %dma_wait3A = arith.constant 0 : i32
        %dma_wait3A_124 = tpu.memref_slice %arg9[%add3A_36, %dma_wait3A] : memref<10000x128xf32, #tpu.memory_space<vmem_shared>> -> memref<80x128xf32, #tpu.memory_space<vmem_shared>>
        %dma_wait3A_125 = arith.constant 0 : i32
        %dma_wait3A_126 = tpu.memref_slice %arg9[%add3A_36, %dma_wait3A_125] : memref<10000x128xf32, #tpu.memory_space<vmem_shared>> -> memref<80x128xf32, #tpu.memory_space<vmem_shared>>
        tpu.wait_dma2 semaphore(%run_scoped3A : memref<!tpu.dma_semaphore, #tpu.memory_space<semaphore_mem>>) src(%arg8 : memref<80x128xf32, #tpu.memory_space<vmem>>) dst(%dma_wait3A_126 : memref<80x128xf32, #tpu.memory_space<vmem_shared>>)
        tpu.yield
      }) : () -> ()
      %mul3A_37 = arith.constant 2000 : i32
      %mul3A_38 = arith.muli %arg1, %mul3A_37 : i32
      %add3A_39 = arith.constant 320 : i32
      %add3A_40 = arith.addi %mul3A_38, %add3A_39 : i32
      "tpu.region"() ({
        %run_scoped3A = tpu.sem_alloc : memref<!tpu.dma_semaphore, #tpu.memory_space<semaphore_mem>>
        %dma_start3A = arith.constant 0 : i32
        %dma_start3A_121 = tpu.memref_slice %arg9[%add3A_40, %dma_start3A] : memref<10000x128xf32, #tpu.memory_space<vmem_shared>> -> memref<80x128xf32, #tpu.memory_space<vmem_shared>>
        %dma_start3A_122 = arith.constant 0 : i32
        %dma_start3A_123 = tpu.memref_slice %arg9[%add3A_40, %dma_start3A_122] : memref<10000x128xf32, #tpu.memory_space<vmem_shared>> -> memref<80x128xf32, #tpu.memory_space<vmem_shared>>
        tpu.enqueue_dma source(%arg8 : memref<80x128xf32, #tpu.memory_space<vmem>>) target(%dma_start3A_123 : memref<80x128xf32, #tpu.memory_space<vmem_shared>>) target_semaphore(%run_scoped3A : memref<!tpu.dma_semaphore, #tpu.memory_space<semaphore_mem>>)
        %dma_wait3A = arith.constant 0 : i32
        %dma_wait3A_124 = tpu.memref_slice %arg9[%add3A_40, %dma_wait3A] : memref<10000x128xf32, #tpu.memory_space<vmem_shared>> -> memref<80x128xf32, #tpu.memory_space<vmem_shared>>
        %dma_wait3A_125 = arith.constant 0 : i32
        %dma_wait3A_126 = tpu.memref_slice %arg9[%add3A_40, %dma_wait3A_125] : memref<10000x128xf32, #tpu.memory_space<vmem_shared>> -> memref<80x128xf32, #tpu.memory_space<vmem_shared>>
        tpu.wait_dma2 semaphore(%run_scoped3A : memref<!tpu.dma_semaphore, #tpu.memory_space<semaphore_mem>>) src(%arg8 : memref<80x128xf32, #tpu.memory_space<vmem>>) dst(%dma_wait3A_126 : memref<80x128xf32, #tpu.memory_space<vmem_shared>>)
        tpu.yield
      }) : () -> ()
      %mul3A_41 = arith.constant 2000 : i32
      %mul3A_42 = arith.muli %arg1, %mul3A_41 : i32
      %add3A_43 = arith.constant 400 : i32
      %add3A_44 = arith.addi %mul3A_42, %add3A_43 : i32
      "tpu.region"() ({
        %run_scoped3A = tpu.sem_alloc : memref<!tpu.dma_semaphore, #tpu.memory_space<semaphore_mem>>
        %dma_start3A = arith.constant 0 : i32
        %dma_start3A_121 = tpu.memref_slice %arg9[%add3A_44, %dma_start3A] : memref<10000x128xf32, #tpu.memory_space<vmem_shared>> -> memref<80x128xf32, #tpu.memory_space<vmem_shared>>
        %dma_start3A_122 = arith.constant 0 : i32
        %dma_start3A_123 = tpu.memref_slice %arg9[%add3A_44, %dma_start3A_122] : memref<10000x128xf32, #tpu.memory_space<vmem_shared>> -> memref<80x128xf32, #tpu.memory_space<vmem_shared>>
        tpu.enqueue_dma source(%arg8 : memref<80x128xf32, #tpu.memory_space<vmem>>) target(%dma_start3A_123 : memref<80x128xf32, #tpu.memory_space<vmem_shared>>) target_semaphore(%run_scoped3A : memref<!tpu.dma_semaphore, #tpu.memory_space<semaphore_mem>>)
        %dma_wait3A = arith.constant 0 : i32
        %dma_wait3A_124 = tpu.memref_slice %arg9[%add3A_44, %dma_wait3A] : memref<10000x128xf32, #tpu.memory_space<vmem_shared>> -> memref<80x128xf32, #tpu.memory_space<vmem_shared>>
        %dma_wait3A_125 = arith.constant 0 : i32
        %dma_wait3A_126 = tpu.memref_slice %arg9[%add3A_44, %dma_wait3A_125] : memref<10000x128xf32, #tpu.memory_space<vmem_shared>> -> memref<80x128xf32, #tpu.memory_space<vmem_shared>>
        tpu.wait_dma2 semaphore(%run_scoped3A : memref<!tpu.dma_semaphore, #tpu.memory_space<semaphore_mem>>) src(%arg8 : memref<80x128xf32, #tpu.memory_space<vmem>>) dst(%dma_wait3A_126 : memref<80x128xf32, #tpu.memory_space<vmem_shared>>)
        tpu.yield
      }) : () -> ()
      %mul3A_45 = arith.constant 2000 : i32
      %mul3A_46 = arith.muli %arg1, %mul3A_45 : i32
      %add3A_47 = arith.constant 480 : i32
      %add3A_48 = arith.addi %mul3A_46, %add3A_47 : i32
      "tpu.region"() ({
        %run_scoped3A = tpu.sem_alloc : memref<!tpu.dma_semaphore, #tpu.memory_space<semaphore_mem>>
        %dma_start3A = arith.constant 0 : i32
        %dma_start3A_121 = tpu.memref_slice %arg9[%add3A_48, %dma_start3A] : memref<10000x128xf32, #tpu.memory_space<vmem_shared>> -> memref<80x128xf32, #tpu.memory_space<vmem_shared>>
        %dma_start3A_122 = arith.constant 0 : i32
        %dma_start3A_123 = tpu.memref_slice %arg9[%add3A_48, %dma_start3A_122] : memref<10000x128xf32, #tpu.memory_space<vmem_shared>> -> memref<80x128xf32, #tpu.memory_space<vmem_shared>>
        tpu.enqueue_dma source(%arg8 : memref<80x128xf32, #tpu.memory_space<vmem>>) target(%dma_start3A_123 : memref<80x128xf32, #tpu.memory_space<vmem_shared>>) target_semaphore(%run_scoped3A : memref<!tpu.dma_semaphore, #tpu.memory_space<semaphore_mem>>)
        %dma_wait3A = arith.constant 0 : i32
        %dma_wait3A_124 = tpu.memref_slice %arg9[%add3A_48, %dma_wait3A] : memref<10000x128xf32, #tpu.memory_space<vmem_shared>> -> memref<80x128xf32, #tpu.memory_space<vmem_shared>>
        %dma_wait3A_125 = arith.constant 0 : i32
        %dma_wait3A_126 = tpu.memref_slice %arg9[%add3A_48, %dma_wait3A_125] : memref<10000x128xf32, #tpu.memory_space<vmem_shared>> -> memref<80x128xf32, #tpu.memory_space<vmem_shared>>
        tpu.wait_dma2 semaphore(%run_scoped3A : memref<!tpu.dma_semaphore, #tpu.memory_space<semaphore_mem>>) src(%arg8 : memref<80x128xf32, #tpu.memory_space<vmem>>) dst(%dma_wait3A_126 : memref<80x128xf32, #tpu.memory_space<vmem_shared>>)
        tpu.yield
      }) : () -> ()
      %mul3A_49 = arith.constant 2000 : i32
      %mul3A_50 = arith.muli %arg1, %mul3A_49 : i32
      %add3A_51 = arith.constant 560 : i32
      %add3A_52 = arith.addi %mul3A_50, %add3A_51 : i32
      "tpu.region"() ({
        %run_scoped3A = tpu.sem_alloc : memref<!tpu.dma_semaphore, #tpu.memory_space<semaphore_mem>>
        %dma_start3A = arith.constant 0 : i32
        %dma_start3A_121 = tpu.memref_slice %arg9[%add3A_52, %dma_start3A] : memref<10000x128xf32, #tpu.memory_space<vmem_shared>> -> memref<80x128xf32, #tpu.memory_space<vmem_shared>>
        %dma_start3A_122 = arith.constant 0 : i32
        %dma_start3A_123 = tpu.memref_slice %arg9[%add3A_52, %dma_start3A_122] : memref<10000x128xf32, #tpu.memory_space<vmem_shared>> -> memref<80x128xf32, #tpu.memory_space<vmem_shared>>
        tpu.enqueue_dma source(%arg8 : memref<80x128xf32, #tpu.memory_space<vmem>>) target(%dma_start3A_123 : memref<80x128xf32, #tpu.memory_space<vmem_shared>>) target_semaphore(%run_scoped3A : memref<!tpu.dma_semaphore, #tpu.memory_space<semaphore_mem>>)
        %dma_wait3A = arith.constant 0 : i32
        %dma_wait3A_124 = tpu.memref_slice %arg9[%add3A_52, %dma_wait3A] : memref<10000x128xf32, #tpu.memory_space<vmem_shared>> -> memref<80x128xf32, #tpu.memory_space<vmem_shared>>
        %dma_wait3A_125 = arith.constant 0 : i32
        %dma_wait3A_126 = tpu.memref_slice %arg9[%add3A_52, %dma_wait3A_125] : memref<10000x128xf32, #tpu.memory_space<vmem_shared>> -> memref<80x128xf32, #tpu.memory_space<vmem_shared>>
        tpu.wait_dma2 semaphore(%run_scoped3A : memref<!tpu.dma_semaphore, #tpu.memory_space<semaphore_mem>>) src(%arg8 : memref<80x128xf32, #tpu.memory_space<vmem>>) dst(%dma_wait3A_126 : memref<80x128xf32, #tpu.memory_space<vmem_shared>>)
        tpu.yield
      }) : () -> ()
      %mul3A_53 = arith.constant 2000 : i32
      %mul3A_54 = arith.muli %arg1, %mul3A_53 : i32
      %add3A_55 = arith.constant 640 : i32
      %add3A_56 = arith.addi %mul3A_54, %add3A_55 : i32
      "tpu.region"() ({
        %run_scoped3A = tpu.sem_alloc : memref<!tpu.dma_semaphore, #tpu.memory_space<semaphore_mem>>
        %dma_start3A = arith.constant 0 : i32
        %dma_start3A_121 = tpu.memref_slice %arg9[%add3A_56, %dma_start3A] : memref<10000x128xf32, #tpu.memory_space<vmem_shared>> -> memref<80x128xf32, #tpu.memory_space<vmem_shared>>
        %dma_start3A_122 = arith.constant 0 : i32
        %dma_start3A_123 = tpu.memref_slice %arg9[%add3A_56, %dma_start3A_122] : memref<10000x128xf32, #tpu.memory_space<vmem_shared>> -> memref<80x128xf32, #tpu.memory_space<vmem_shared>>
        tpu.enqueue_dma source(%arg8 : memref<80x128xf32, #tpu.memory_space<vmem>>) target(%dma_start3A_123 : memref<80x128xf32, #tpu.memory_space<vmem_shared>>) target_semaphore(%run_scoped3A : memref<!tpu.dma_semaphore, #tpu.memory_space<semaphore_mem>>)
        %dma_wait3A = arith.constant 0 : i32
        %dma_wait3A_124 = tpu.memref_slice %arg9[%add3A_56, %dma_wait3A] : memref<10000x128xf32, #tpu.memory_space<vmem_shared>> -> memref<80x128xf32, #tpu.memory_space<vmem_shared>>
        %dma_wait3A_125 = arith.constant 0 : i32
        %dma_wait3A_126 = tpu.memref_slice %arg9[%add3A_56, %dma_wait3A_125] : memref<10000x128xf32, #tpu.memory_space<vmem_shared>> -> memref<80x128xf32, #tpu.memory_space<vmem_shared>>
        tpu.wait_dma2 semaphore(%run_scoped3A : memref<!tpu.dma_semaphore, #tpu.memory_space<semaphore_mem>>) src(%arg8 : memref<80x128xf32, #tpu.memory_space<vmem>>) dst(%dma_wait3A_126 : memref<80x128xf32, #tpu.memory_space<vmem_shared>>)
        tpu.yield
      }) : () -> ()
      %mul3A_57 = arith.constant 2000 : i32
      %mul3A_58 = arith.muli %arg1, %mul3A_57 : i32
      %add3A_59 = arith.constant 720 : i32
      %add3A_60 = arith.addi %mul3A_58, %add3A_59 : i32
      "tpu.region"() ({
        %run_scoped3A = tpu.sem_alloc : memref<!tpu.dma_semaphore, #tpu.memory_space<semaphore_mem>>
        %dma_start3A = arith.constant 0 : i32
        %dma_start3A_121 = tpu.memref_slice %arg9[%add3A_60, %dma_start3A] : memref<10000x128xf32, #tpu.memory_space<vmem_shared>> -> memref<80x128xf32, #tpu.memory_space<vmem_shared>>
        %dma_start3A_122 = arith.constant 0 : i32
        %dma_start3A_123 = tpu.memref_slice %arg9[%add3A_60, %dma_start3A_122] : memref<10000x128xf32, #tpu.memory_space<vmem_shared>> -> memref<80x128xf32, #tpu.memory_space<vmem_shared>>
        tpu.enqueue_dma source(%arg8 : memref<80x128xf32, #tpu.memory_space<vmem>>) target(%dma_start3A_123 : memref<80x128xf32, #tpu.memory_space<vmem_shared>>) target_semaphore(%run_scoped3A : memref<!tpu.dma_semaphore, #tpu.memory_space<semaphore_mem>>)
        %dma_wait3A = arith.constant 0 : i32
        %dma_wait3A_124 = tpu.memref_slice %arg9[%add3A_60, %dma_wait3A] : memref<10000x128xf32, #tpu.memory_space<vmem_shared>> -> memref<80x128xf32, #tpu.memory_space<vmem_shared>>
        %dma_wait3A_125 = arith.constant 0 : i32
        %dma_wait3A_126 = tpu.memref_slice %arg9[%add3A_60, %dma_wait3A_125] : memref<10000x128xf32, #tpu.memory_space<vmem_shared>> -> memref<80x128xf32, #tpu.memory_space<vmem_shared>>
        tpu.wait_dma2 semaphore(%run_scoped3A : memref<!tpu.dma_semaphore, #tpu.memory_space<semaphore_mem>>) src(%arg8 : memref<80x128xf32, #tpu.memory_space<vmem>>) dst(%dma_wait3A_126 : memref<80x128xf32, #tpu.memory_space<vmem_shared>>)
        tpu.yield
      }) : () -> ()
      %mul3A_61 = arith.constant 2000 : i32
      %mul3A_62 = arith.muli %arg1, %mul3A_61 : i32
      %add3A_63 = arith.constant 800 : i32
      %add3A_64 = arith.addi %mul3A_62, %add3A_63 : i32
      "tpu.region"() ({
        %run_scoped3A = tpu.sem_alloc : memref<!tpu.dma_semaphore, #tpu.memory_space<semaphore_mem>>
        %dma_start3A = arith.constant 0 : i32
        %dma_start3A_121 = tpu.memref_slice %arg9[%add3A_64, %dma_start3A] : memref<10000x128xf32, #tpu.memory_space<vmem_shared>> -> memref<80x128xf32, #tpu.memory_space<vmem_shared>>
        %dma_start3A_122 = arith.constant 0 : i32
        %dma_start3A_123 = tpu.memref_slice %arg9[%add3A_64, %dma_start3A_122] : memref<10000x128xf32, #tpu.memory_space<vmem_shared>> -> memref<80x128xf32, #tpu.memory_space<vmem_shared>>
        tpu.enqueue_dma source(%arg8 : memref<80x128xf32, #tpu.memory_space<vmem>>) target(%dma_start3A_123 : memref<80x128xf32, #tpu.memory_space<vmem_shared>>) target_semaphore(%run_scoped3A : memref<!tpu.dma_semaphore, #tpu.memory_space<semaphore_mem>>)
        %dma_wait3A = arith.constant 0 : i32
        %dma_wait3A_124 = tpu.memref_slice %arg9[%add3A_64, %dma_wait3A] : memref<10000x128xf32, #tpu.memory_space<vmem_shared>> -> memref<80x128xf32, #tpu.memory_space<vmem_shared>>
        %dma_wait3A_125 = arith.constant 0 : i32
        %dma_wait3A_126 = tpu.memref_slice %arg9[%add3A_64, %dma_wait3A_125] : memref<10000x128xf32, #tpu.memory_space<vmem_shared>> -> memref<80x128xf32, #tpu.memory_space<vmem_shared>>
        tpu.wait_dma2 semaphore(%run_scoped3A : memref<!tpu.dma_semaphore, #tpu.memory_space<semaphore_mem>>) src(%arg8 : memref<80x128xf32, #tpu.memory_space<vmem>>) dst(%dma_wait3A_126 : memref<80x128xf32, #tpu.memory_space<vmem_shared>>)
        tpu.yield
      }) : () -> ()
      %mul3A_65 = arith.constant 2000 : i32
      %mul3A_66 = arith.muli %arg1, %mul3A_65 : i32
      %add3A_67 = arith.constant 880 : i32
      %add3A_68 = arith.addi %mul3A_66, %add3A_67 : i32
      "tpu.region"() ({
        %run_scoped3A = tpu.sem_alloc : memref<!tpu.dma_semaphore, #tpu.memory_space<semaphore_mem>>
        %dma_start3A = arith.constant 0 : i32
        %dma_start3A_121 = tpu.memref_slice %arg9[%add3A_68, %dma_start3A] : memref<10000x128xf32, #tpu.memory_space<vmem_shared>> -> memref<80x128xf32, #tpu.memory_space<vmem_shared>>
        %dma_start3A_122 = arith.constant 0 : i32
        %dma_start3A_123 = tpu.memref_slice %arg9[%add3A_68, %dma_start3A_122] : memref<10000x128xf32, #tpu.memory_space<vmem_shared>> -> memref<80x128xf32, #tpu.memory_space<vmem_shared>>
        tpu.enqueue_dma source(%arg8 : memref<80x128xf32, #tpu.memory_space<vmem>>) target(%dma_start3A_123 : memref<80x128xf32, #tpu.memory_space<vmem_shared>>) target_semaphore(%run_scoped3A : memref<!tpu.dma_semaphore, #tpu.memory_space<semaphore_mem>>)
        %dma_wait3A = arith.constant 0 : i32
        %dma_wait3A_124 = tpu.memref_slice %arg9[%add3A_68, %dma_wait3A] : memref<10000x128xf32, #tpu.memory_space<vmem_shared>> -> memref<80x128xf32, #tpu.memory_space<vmem_shared>>
        %dma_wait3A_125 = arith.constant 0 : i32
        %dma_wait3A_126 = tpu.memref_slice %arg9[%add3A_68, %dma_wait3A_125] : memref<10000x128xf32, #tpu.memory_space<vmem_shared>> -> memref<80x128xf32, #tpu.memory_space<vmem_shared>>
        tpu.wait_dma2 semaphore(%run_scoped3A : memref<!tpu.dma_semaphore, #tpu.memory_space<semaphore_mem>>) src(%arg8 : memref<80x128xf32, #tpu.memory_space<vmem>>) dst(%dma_wait3A_126 : memref<80x128xf32, #tpu.memory_space<vmem_shared>>)
        tpu.yield
      }) : () -> ()
      %mul3A_69 = arith.constant 2000 : i32
      %mul3A_70 = arith.muli %arg1, %mul3A_69 : i32
      %add3A_71 = arith.constant 960 : i32
      %add3A_72 = arith.addi %mul3A_70, %add3A_71 : i32
      "tpu.region"() ({
        %run_scoped3A = tpu.sem_alloc : memref<!tpu.dma_semaphore, #tpu.memory_space<semaphore_mem>>
        %dma_start3A = arith.constant 0 : i32
        %dma_start3A_121 = tpu.memref_slice %arg9[%add3A_72, %dma_start3A] : memref<10000x128xf32, #tpu.memory_space<vmem_shared>> -> memref<80x128xf32, #tpu.memory_space<vmem_shared>>
        %dma_start3A_122 = arith.constant 0 : i32
        %dma_start3A_123 = tpu.memref_slice %arg9[%add3A_72, %dma_start3A_122] : memref<10000x128xf32, #tpu.memory_space<vmem_shared>> -> memref<80x128xf32, #tpu.memory_space<vmem_shared>>
        tpu.enqueue_dma source(%arg8 : memref<80x128xf32, #tpu.memory_space<vmem>>) target(%dma_start3A_123 : memref<80x128xf32, #tpu.memory_space<vmem_shared>>) target_semaphore(%run_scoped3A : memref<!tpu.dma_semaphore, #tpu.memory_space<semaphore_mem>>)
        %dma_wait3A = arith.constant 0 : i32
        %dma_wait3A_124 = tpu.memref_slice %arg9[%add3A_72, %dma_wait3A] : memref<10000x128xf32, #tpu.memory_space<vmem_shared>> -> memref<80x128xf32, #tpu.memory_space<vmem_shared>>
        %dma_wait3A_125 = arith.constant 0 : i32
        %dma_wait3A_126 = tpu.memref_slice %arg9[%add3A_72, %dma_wait3A_125] : memref<10000x128xf32, #tpu.memory_space<vmem_shared>> -> memref<80x128xf32, #tpu.memory_space<vmem_shared>>
        tpu.wait_dma2 semaphore(%run_scoped3A : memref<!tpu.dma_semaphore, #tpu.memory_space<semaphore_mem>>) src(%arg8 : memref<80x128xf32, #tpu.memory_space<vmem>>) dst(%dma_wait3A_126 : memref<80x128xf32, #tpu.memory_space<vmem_shared>>)
        tpu.yield
      }) : () -> ()
      %mul3A_73 = arith.constant 2000 : i32
      %mul3A_74 = arith.muli %arg1, %mul3A_73 : i32
      %add3A_75 = arith.constant 1040 : i32
      %add3A_76 = arith.addi %mul3A_74, %add3A_75 : i32
      "tpu.region"() ({
        %run_scoped3A = tpu.sem_alloc : memref<!tpu.dma_semaphore, #tpu.memory_space<semaphore_mem>>
        %dma_start3A = arith.constant 0 : i32
        %dma_start3A_121 = tpu.memref_slice %arg9[%add3A_76, %dma_start3A] : memref<10000x128xf32, #tpu.memory_space<vmem_shared>> -> memref<80x128xf32, #tpu.memory_space<vmem_shared>>
        %dma_start3A_122 = arith.constant 0 : i32
        %dma_start3A_123 = tpu.memref_slice %arg9[%add3A_76, %dma_start3A_122] : memref<10000x128xf32, #tpu.memory_space<vmem_shared>> -> memref<80x128xf32, #tpu.memory_space<vmem_shared>>
        tpu.enqueue_dma source(%arg8 : memref<80x128xf32, #tpu.memory_space<vmem>>) target(%dma_start3A_123 : memref<80x128xf32, #tpu.memory_space<vmem_shared>>) target_semaphore(%run_scoped3A : memref<!tpu.dma_semaphore, #tpu.memory_space<semaphore_mem>>)
        %dma_wait3A = arith.constant 0 : i32
        %dma_wait3A_124 = tpu.memref_slice %arg9[%add3A_76, %dma_wait3A] : memref<10000x128xf32, #tpu.memory_space<vmem_shared>> -> memref<80x128xf32, #tpu.memory_space<vmem_shared>>
        %dma_wait3A_125 = arith.constant 0 : i32
        %dma_wait3A_126 = tpu.memref_slice %arg9[%add3A_76, %dma_wait3A_125] : memref<10000x128xf32, #tpu.memory_space<vmem_shared>> -> memref<80x128xf32, #tpu.memory_space<vmem_shared>>
        tpu.wait_dma2 semaphore(%run_scoped3A : memref<!tpu.dma_semaphore, #tpu.memory_space<semaphore_mem>>) src(%arg8 : memref<80x128xf32, #tpu.memory_space<vmem>>) dst(%dma_wait3A_126 : memref<80x128xf32, #tpu.memory_space<vmem_shared>>)
        tpu.yield
      }) : () -> ()
      %mul3A_77 = arith.constant 2000 : i32
      %mul3A_78 = arith.muli %arg1, %mul3A_77 : i32
      %add3A_79 = arith.constant 1120 : i32
      %add3A_80 = arith.addi %mul3A_78, %add3A_79 : i32
      "tpu.region"() ({
        %run_scoped3A = tpu.sem_alloc : memref<!tpu.dma_semaphore, #tpu.memory_space<semaphore_mem>>
        %dma_start3A = arith.constant 0 : i32
        %dma_start3A_121 = tpu.memref_slice %arg9[%add3A_80, %dma_start3A] : memref<10000x128xf32, #tpu.memory_space<vmem_shared>> -> memref<80x128xf32, #tpu.memory_space<vmem_shared>>
        %dma_start3A_122 = arith.constant 0 : i32
        %dma_start3A_123 = tpu.memref_slice %arg9[%add3A_80, %dma_start3A_122] : memref<10000x128xf32, #tpu.memory_space<vmem_shared>> -> memref<80x128xf32, #tpu.memory_space<vmem_shared>>
        tpu.enqueue_dma source(%arg8 : memref<80x128xf32, #tpu.memory_space<vmem>>) target(%dma_start3A_123 : memref<80x128xf32, #tpu.memory_space<vmem_shared>>) target_semaphore(%run_scoped3A : memref<!tpu.dma_semaphore, #tpu.memory_space<semaphore_mem>>)
        %dma_wait3A = arith.constant 0 : i32
        %dma_wait3A_124 = tpu.memref_slice %arg9[%add3A_80, %dma_wait3A] : memref<10000x128xf32, #tpu.memory_space<vmem_shared>> -> memref<80x128xf32, #tpu.memory_space<vmem_shared>>
        %dma_wait3A_125 = arith.constant 0 : i32
        %dma_wait3A_126 = tpu.memref_slice %arg9[%add3A_80, %dma_wait3A_125] : memref<10000x128xf32, #tpu.memory_space<vmem_shared>> -> memref<80x128xf32, #tpu.memory_space<vmem_shared>>
        tpu.wait_dma2 semaphore(%run_scoped3A : memref<!tpu.dma_semaphore, #tpu.memory_space<semaphore_mem>>) src(%arg8 : memref<80x128xf32, #tpu.memory_space<vmem>>) dst(%dma_wait3A_126 : memref<80x128xf32, #tpu.memory_space<vmem_shared>>)
        tpu.yield
      }) : () -> ()
      %mul3A_81 = arith.constant 2000 : i32
      %mul3A_82 = arith.muli %arg1, %mul3A_81 : i32
      %add3A_83 = arith.constant 1200 : i32
      %add3A_84 = arith.addi %mul3A_82, %add3A_83 : i32
      "tpu.region"() ({
        %run_scoped3A = tpu.sem_alloc : memref<!tpu.dma_semaphore, #tpu.memory_space<semaphore_mem>>
        %dma_start3A = arith.constant 0 : i32
        %dma_start3A_121 = tpu.memref_slice %arg9[%add3A_84, %dma_start3A] : memref<10000x128xf32, #tpu.memory_space<vmem_shared>> -> memref<80x128xf32, #tpu.memory_space<vmem_shared>>
        %dma_start3A_122 = arith.constant 0 : i32
        %dma_start3A_123 = tpu.memref_slice %arg9[%add3A_84, %dma_start3A_122] : memref<10000x128xf32, #tpu.memory_space<vmem_shared>> -> memref<80x128xf32, #tpu.memory_space<vmem_shared>>
        tpu.enqueue_dma source(%arg8 : memref<80x128xf32, #tpu.memory_space<vmem>>) target(%dma_start3A_123 : memref<80x128xf32, #tpu.memory_space<vmem_shared>>) target_semaphore(%run_scoped3A : memref<!tpu.dma_semaphore, #tpu.memory_space<semaphore_mem>>)
        %dma_wait3A = arith.constant 0 : i32
        %dma_wait3A_124 = tpu.memref_slice %arg9[%add3A_84, %dma_wait3A] : memref<10000x128xf32, #tpu.memory_space<vmem_shared>> -> memref<80x128xf32, #tpu.memory_space<vmem_shared>>
        %dma_wait3A_125 = arith.constant 0 : i32
        %dma_wait3A_126 = tpu.memref_slice %arg9[%add3A_84, %dma_wait3A_125] : memref<10000x128xf32, #tpu.memory_space<vmem_shared>> -> memref<80x128xf32, #tpu.memory_space<vmem_shared>>
        tpu.wait_dma2 semaphore(%run_scoped3A : memref<!tpu.dma_semaphore, #tpu.memory_space<semaphore_mem>>) src(%arg8 : memref<80x128xf32, #tpu.memory_space<vmem>>) dst(%dma_wait3A_126 : memref<80x128xf32, #tpu.memory_space<vmem_shared>>)
        tpu.yield
      }) : () -> ()
      %mul3A_85 = arith.constant 2000 : i32
      %mul3A_86 = arith.muli %arg1, %mul3A_85 : i32
      %add3A_87 = arith.constant 1280 : i32
      %add3A_88 = arith.addi %mul3A_86, %add3A_87 : i32
      "tpu.region"() ({
        %run_scoped3A = tpu.sem_alloc : memref<!tpu.dma_semaphore, #tpu.memory_space<semaphore_mem>>
        %dma_start3A = arith.constant 0 : i32
        %dma_start3A_121 = tpu.memref_slice %arg9[%add3A_88, %dma_start3A] : memref<10000x128xf32, #tpu.memory_space<vmem_shared>> -> memref<80x128xf32, #tpu.memory_space<vmem_shared>>
        %dma_start3A_122 = arith.constant 0 : i32
        %dma_start3A_123 = tpu.memref_slice %arg9[%add3A_88, %dma_start3A_122] : memref<10000x128xf32, #tpu.memory_space<vmem_shared>> -> memref<80x128xf32, #tpu.memory_space<vmem_shared>>
        tpu.enqueue_dma source(%arg8 : memref<80x128xf32, #tpu.memory_space<vmem>>) target(%dma_start3A_123 : memref<80x128xf32, #tpu.memory_space<vmem_shared>>) target_semaphore(%run_scoped3A : memref<!tpu.dma_semaphore, #tpu.memory_space<semaphore_mem>>)
        %dma_wait3A = arith.constant 0 : i32
        %dma_wait3A_124 = tpu.memref_slice %arg9[%add3A_88, %dma_wait3A] : memref<10000x128xf32, #tpu.memory_space<vmem_shared>> -> memref<80x128xf32, #tpu.memory_space<vmem_shared>>
        %dma_wait3A_125 = arith.constant 0 : i32
        %dma_wait3A_126 = tpu.memref_slice %arg9[%add3A_88, %dma_wait3A_125] : memref<10000x128xf32, #tpu.memory_space<vmem_shared>> -> memref<80x128xf32, #tpu.memory_space<vmem_shared>>
        tpu.wait_dma2 semaphore(%run_scoped3A : memref<!tpu.dma_semaphore, #tpu.memory_space<semaphore_mem>>) src(%arg8 : memref<80x128xf32, #tpu.memory_space<vmem>>) dst(%dma_wait3A_126 : memref<80x128xf32, #tpu.memory_space<vmem_shared>>)
        tpu.yield
      }) : () -> ()
      %mul3A_89 = arith.constant 2000 : i32
      %mul3A_90 = arith.muli %arg1, %mul3A_89 : i32
      %add3A_91 = arith.constant 1360 : i32
      %add3A_92 = arith.addi %mul3A_90, %add3A_91 : i32
      "tpu.region"() ({
        %run_scoped3A = tpu.sem_alloc : memref<!tpu.dma_semaphore, #tpu.memory_space<semaphore_mem>>
        %dma_start3A = arith.constant 0 : i32
        %dma_start3A_121 = tpu.memref_slice %arg9[%add3A_92, %dma_start3A] : memref<10000x128xf32, #tpu.memory_space<vmem_shared>> -> memref<80x128xf32, #tpu.memory_space<vmem_shared>>
        %dma_start3A_122 = arith.constant 0 : i32
        %dma_start3A_123 = tpu.memref_slice %arg9[%add3A_92, %dma_start3A_122] : memref<10000x128xf32, #tpu.memory_space<vmem_shared>> -> memref<80x128xf32, #tpu.memory_space<vmem_shared>>
        tpu.enqueue_dma source(%arg8 : memref<80x128xf32, #tpu.memory_space<vmem>>) target(%dma_start3A_123 : memref<80x128xf32, #tpu.memory_space<vmem_shared>>) target_semaphore(%run_scoped3A : memref<!tpu.dma_semaphore, #tpu.memory_space<semaphore_mem>>)
        %dma_wait3A = arith.constant 0 : i32
        %dma_wait3A_124 = tpu.memref_slice %arg9[%add3A_92, %dma_wait3A] : memref<10000x128xf32, #tpu.memory_space<vmem_shared>> -> memref<80x128xf32, #tpu.memory_space<vmem_shared>>
        %dma_wait3A_125 = arith.constant 0 : i32
        %dma_wait3A_126 = tpu.memref_slice %arg9[%add3A_92, %dma_wait3A_125] : memref<10000x128xf32, #tpu.memory_space<vmem_shared>> -> memref<80x128xf32, #tpu.memory_space<vmem_shared>>
        tpu.wait_dma2 semaphore(%run_scoped3A : memref<!tpu.dma_semaphore, #tpu.memory_space<semaphore_mem>>) src(%arg8 : memref<80x128xf32, #tpu.memory_space<vmem>>) dst(%dma_wait3A_126 : memref<80x128xf32, #tpu.memory_space<vmem_shared>>)
        tpu.yield
      }) : () -> ()
      %mul3A_93 = arith.constant 2000 : i32
      %mul3A_94 = arith.muli %arg1, %mul3A_93 : i32
      %add3A_95 = arith.constant 1440 : i32
      %add3A_96 = arith.addi %mul3A_94, %add3A_95 : i32
      "tpu.region"() ({
        %run_scoped3A = tpu.sem_alloc : memref<!tpu.dma_semaphore, #tpu.memory_space<semaphore_mem>>
        %dma_start3A = arith.constant 0 : i32
        %dma_start3A_121 = tpu.memref_slice %arg9[%add3A_96, %dma_start3A] : memref<10000x128xf32, #tpu.memory_space<vmem_shared>> -> memref<80x128xf32, #tpu.memory_space<vmem_shared>>
        %dma_start3A_122 = arith.constant 0 : i32
        %dma_start3A_123 = tpu.memref_slice %arg9[%add3A_96, %dma_start3A_122] : memref<10000x128xf32, #tpu.memory_space<vmem_shared>> -> memref<80x128xf32, #tpu.memory_space<vmem_shared>>
        tpu.enqueue_dma source(%arg8 : memref<80x128xf32, #tpu.memory_space<vmem>>) target(%dma_start3A_123 : memref<80x128xf32, #tpu.memory_space<vmem_shared>>) target_semaphore(%run_scoped3A : memref<!tpu.dma_semaphore, #tpu.memory_space<semaphore_mem>>)
        %dma_wait3A = arith.constant 0 : i32
        %dma_wait3A_124 = tpu.memref_slice %arg9[%add3A_96, %dma_wait3A] : memref<10000x128xf32, #tpu.memory_space<vmem_shared>> -> memref<80x128xf32, #tpu.memory_space<vmem_shared>>
        %dma_wait3A_125 = arith.constant 0 : i32
        %dma_wait3A_126 = tpu.memref_slice %arg9[%add3A_96, %dma_wait3A_125] : memref<10000x128xf32, #tpu.memory_space<vmem_shared>> -> memref<80x128xf32, #tpu.memory_space<vmem_shared>>
        tpu.wait_dma2 semaphore(%run_scoped3A : memref<!tpu.dma_semaphore, #tpu.memory_space<semaphore_mem>>) src(%arg8 : memref<80x128xf32, #tpu.memory_space<vmem>>) dst(%dma_wait3A_126 : memref<80x128xf32, #tpu.memory_space<vmem_shared>>)
        tpu.yield
      }) : () -> ()
      %mul3A_97 = arith.constant 2000 : i32
      %mul3A_98 = arith.muli %arg1, %mul3A_97 : i32
      %add3A_99 = arith.constant 1520 : i32
      %add3A_100 = arith.addi %mul3A_98, %add3A_99 : i32
      "tpu.region"() ({
        %run_scoped3A = tpu.sem_alloc : memref<!tpu.dma_semaphore, #tpu.memory_space<semaphore_mem>>
        %dma_start3A = arith.constant 0 : i32
        %dma_start3A_121 = tpu.memref_slice %arg9[%add3A_100, %dma_start3A] : memref<10000x128xf32, #tpu.memory_space<vmem_shared>> -> memref<80x128xf32, #tpu.memory_space<vmem_shared>>
        %dma_start3A_122 = arith.constant 0 : i32
        %dma_start3A_123 = tpu.memref_slice %arg9[%add3A_100, %dma_start3A_122] : memref<10000x128xf32, #tpu.memory_space<vmem_shared>> -> memref<80x128xf32, #tpu.memory_space<vmem_shared>>
        tpu.enqueue_dma source(%arg8 : memref<80x128xf32, #tpu.memory_space<vmem>>) target(%dma_start3A_123 : memref<80x128xf32, #tpu.memory_space<vmem_shared>>) target_semaphore(%run_scoped3A : memref<!tpu.dma_semaphore, #tpu.memory_space<semaphore_mem>>)
        %dma_wait3A = arith.constant 0 : i32
        %dma_wait3A_124 = tpu.memref_slice %arg9[%add3A_100, %dma_wait3A] : memref<10000x128xf32, #tpu.memory_space<vmem_shared>> -> memref<80x128xf32, #tpu.memory_space<vmem_shared>>
        %dma_wait3A_125 = arith.constant 0 : i32
        %dma_wait3A_126 = tpu.memref_slice %arg9[%add3A_100, %dma_wait3A_125] : memref<10000x128xf32, #tpu.memory_space<vmem_shared>> -> memref<80x128xf32, #tpu.memory_space<vmem_shared>>
        tpu.wait_dma2 semaphore(%run_scoped3A : memref<!tpu.dma_semaphore, #tpu.memory_space<semaphore_mem>>) src(%arg8 : memref<80x128xf32, #tpu.memory_space<vmem>>) dst(%dma_wait3A_126 : memref<80x128xf32, #tpu.memory_space<vmem_shared>>)
        tpu.yield
      }) : () -> ()
      %mul3A_101 = arith.constant 2000 : i32
      %mul3A_102 = arith.muli %arg1, %mul3A_101 : i32
      %add3A_103 = arith.constant 1600 : i32
      %add3A_104 = arith.addi %mul3A_102, %add3A_103 : i32
      "tpu.region"() ({
        %run_scoped3A = tpu.sem_alloc : memref<!tpu.dma_semaphore, #tpu.memory_space<semaphore_mem>>
        %dma_start3A = arith.constant 0 : i32
        %dma_start3A_121 = tpu.memref_slice %arg9[%add3A_104, %dma_start3A] : memref<10000x128xf32, #tpu.memory_space<vmem_shared>> -> memref<80x128xf32, #tpu.memory_space<vmem_shared>>
        %dma_start3A_122 = arith.constant 0 : i32
        %dma_start3A_123 = tpu.memref_slice %arg9[%add3A_104, %dma_start3A_122] : memref<10000x128xf32, #tpu.memory_space<vmem_shared>> -> memref<80x128xf32, #tpu.memory_space<vmem_shared>>
        tpu.enqueue_dma source(%arg8 : memref<80x128xf32, #tpu.memory_space<vmem>>) target(%dma_start3A_123 : memref<80x128xf32, #tpu.memory_space<vmem_shared>>) target_semaphore(%run_scoped3A : memref<!tpu.dma_semaphore, #tpu.memory_space<semaphore_mem>>)
        %dma_wait3A = arith.constant 0 : i32
        %dma_wait3A_124 = tpu.memref_slice %arg9[%add3A_104, %dma_wait3A] : memref<10000x128xf32, #tpu.memory_space<vmem_shared>> -> memref<80x128xf32, #tpu.memory_space<vmem_shared>>
        %dma_wait3A_125 = arith.constant 0 : i32
        %dma_wait3A_126 = tpu.memref_slice %arg9[%add3A_104, %dma_wait3A_125] : memref<10000x128xf32, #tpu.memory_space<vmem_shared>> -> memref<80x128xf32, #tpu.memory_space<vmem_shared>>
        tpu.wait_dma2 semaphore(%run_scoped3A : memref<!tpu.dma_semaphore, #tpu.memory_space<semaphore_mem>>) src(%arg8 : memref<80x128xf32, #tpu.memory_space<vmem>>) dst(%dma_wait3A_126 : memref<80x128xf32, #tpu.memory_space<vmem_shared>>)
        tpu.yield
      }) : () -> ()
      %mul3A_105 = arith.constant 2000 : i32
      %mul3A_106 = arith.muli %arg1, %mul3A_105 : i32
      %add3A_107 = arith.constant 1680 : i32
      %add3A_108 = arith.addi %mul3A_106, %add3A_107 : i32
      "tpu.region"() ({
        %run_scoped3A = tpu.sem_alloc : memref<!tpu.dma_semaphore, #tpu.memory_space<semaphore_mem>>
        %dma_start3A = arith.constant 0 : i32
        %dma_start3A_121 = tpu.memref_slice %arg9[%add3A_108, %dma_start3A] : memref<10000x128xf32, #tpu.memory_space<vmem_shared>> -> memref<80x128xf32, #tpu.memory_space<vmem_shared>>
        %dma_start3A_122 = arith.constant 0 : i32
        %dma_start3A_123 = tpu.memref_slice %arg9[%add3A_108, %dma_start3A_122] : memref<10000x128xf32, #tpu.memory_space<vmem_shared>> -> memref<80x128xf32, #tpu.memory_space<vmem_shared>>
        tpu.enqueue_dma source(%arg8 : memref<80x128xf32, #tpu.memory_space<vmem>>) target(%dma_start3A_123 : memref<80x128xf32, #tpu.memory_space<vmem_shared>>) target_semaphore(%run_scoped3A : memref<!tpu.dma_semaphore, #tpu.memory_space<semaphore_mem>>)
        %dma_wait3A = arith.constant 0 : i32
        %dma_wait3A_124 = tpu.memref_slice %arg9[%add3A_108, %dma_wait3A] : memref<10000x128xf32, #tpu.memory_space<vmem_shared>> -> memref<80x128xf32, #tpu.memory_space<vmem_shared>>
        %dma_wait3A_125 = arith.constant 0 : i32
        %dma_wait3A_126 = tpu.memref_slice %arg9[%add3A_108, %dma_wait3A_125] : memref<10000x128xf32, #tpu.memory_space<vmem_shared>> -> memref<80x128xf32, #tpu.memory_space<vmem_shared>>
        tpu.wait_dma2 semaphore(%run_scoped3A : memref<!tpu.dma_semaphore, #tpu.memory_space<semaphore_mem>>) src(%arg8 : memref<80x128xf32, #tpu.memory_space<vmem>>) dst(%dma_wait3A_126 : memref<80x128xf32, #tpu.memory_space<vmem_shared>>)
        tpu.yield
      }) : () -> ()
      %mul3A_109 = arith.constant 2000 : i32
      %mul3A_110 = arith.muli %arg1, %mul3A_109 : i32
      %add3A_111 = arith.constant 1760 : i32
      %add3A_112 = arith.addi %mul3A_110, %add3A_111 : i32
      "tpu.region"() ({
        %run_scoped3A = tpu.sem_alloc : memref<!tpu.dma_semaphore, #tpu.memory_space<semaphore_mem>>
        %dma_start3A = arith.constant 0 : i32
        %dma_start3A_121 = tpu.memref_slice %arg9[%add3A_112, %dma_start3A] : memref<10000x128xf32, #tpu.memory_space<vmem_shared>> -> memref<80x128xf32, #tpu.memory_space<vmem_shared>>
        %dma_start3A_122 = arith.constant 0 : i32
        %dma_start3A_123 = tpu.memref_slice %arg9[%add3A_112, %dma_start3A_122] : memref<10000x128xf32, #tpu.memory_space<vmem_shared>> -> memref<80x128xf32, #tpu.memory_space<vmem_shared>>
        tpu.enqueue_dma source(%arg8 : memref<80x128xf32, #tpu.memory_space<vmem>>) target(%dma_start3A_123 : memref<80x128xf32, #tpu.memory_space<vmem_shared>>) target_semaphore(%run_scoped3A : memref<!tpu.dma_semaphore, #tpu.memory_space<semaphore_mem>>)
        %dma_wait3A = arith.constant 0 : i32
        %dma_wait3A_124 = tpu.memref_slice %arg9[%add3A_112, %dma_wait3A] : memref<10000x128xf32, #tpu.memory_space<vmem_shared>> -> memref<80x128xf32, #tpu.memory_space<vmem_shared>>
        %dma_wait3A_125 = arith.constant 0 : i32
        %dma_wait3A_126 = tpu.memref_slice %arg9[%add3A_112, %dma_wait3A_125] : memref<10000x128xf32, #tpu.memory_space<vmem_shared>> -> memref<80x128xf32, #tpu.memory_space<vmem_shared>>
        tpu.wait_dma2 semaphore(%run_scoped3A : memref<!tpu.dma_semaphore, #tpu.memory_space<semaphore_mem>>) src(%arg8 : memref<80x128xf32, #tpu.memory_space<vmem>>) dst(%dma_wait3A_126 : memref<80x128xf32, #tpu.memory_space<vmem_shared>>)
        tpu.yield
      }) : () -> ()
      %mul3A_113 = arith.constant 2000 : i32
      %mul3A_114 = arith.muli %arg1, %mul3A_113 : i32
      %add3A_115 = arith.constant 1840 : i32
      %add3A_116 = arith.addi %mul3A_114, %add3A_115 : i32
      "tpu.region"() ({
        %run_scoped3A = tpu.sem_alloc : memref<!tpu.dma_semaphore, #tpu.memory_space<semaphore_mem>>
        %dma_start3A = arith.constant 0 : i32
        %dma_start3A_121 = tpu.memref_slice %arg9[%add3A_116, %dma_start3A] : memref<10000x128xf32, #tpu.memory_space<vmem_shared>> -> memref<80x128xf32, #tpu.memory_space<vmem_shared>>
        %dma_start3A_122 = arith.constant 0 : i32
        %dma_start3A_123 = tpu.memref_slice %arg9[%add3A_116, %dma_start3A_122] : memref<10000x128xf32, #tpu.memory_space<vmem_shared>> -> memref<80x128xf32, #tpu.memory_space<vmem_shared>>
        tpu.enqueue_dma source(%arg8 : memref<80x128xf32, #tpu.memory_space<vmem>>) target(%dma_start3A_123 : memref<80x128xf32, #tpu.memory_space<vmem_shared>>) target_semaphore(%run_scoped3A : memref<!tpu.dma_semaphore, #tpu.memory_space<semaphore_mem>>)
        %dma_wait3A = arith.constant 0 : i32
        %dma_wait3A_124 = tpu.memref_slice %arg9[%add3A_116, %dma_wait3A] : memref<10000x128xf32, #tpu.memory_space<vmem_shared>> -> memref<80x128xf32, #tpu.memory_space<vmem_shared>>
        %dma_wait3A_125 = arith.constant 0 : i32
        %dma_wait3A_126 = tpu.memref_slice %arg9[%add3A_116, %dma_wait3A_125] : memref<10000x128xf32, #tpu.memory_space<vmem_shared>> -> memref<80x128xf32, #tpu.memory_space<vmem_shared>>
        tpu.wait_dma2 semaphore(%run_scoped3A : memref<!tpu.dma_semaphore, #tpu.memory_space<semaphore_mem>>) src(%arg8 : memref<80x128xf32, #tpu.memory_space<vmem>>) dst(%dma_wait3A_126 : memref<80x128xf32, #tpu.memory_space<vmem_shared>>)
        tpu.yield
      }) : () -> ()
      %mul3A_117 = arith.constant 2000 : i32
      %mul3A_118 = arith.muli %arg1, %mul3A_117 : i32
      %add3A_119 = arith.constant 1920 : i32
      %add3A_120 = arith.addi %mul3A_118, %add3A_119 : i32
      "tpu.region"() ({
        %run_scoped3A = tpu.sem_alloc : memref<!tpu.dma_semaphore, #tpu.memory_space<semaphore_mem>>
        %dma_start3A = arith.constant 0 : i32
        %dma_start3A_121 = tpu.memref_slice %arg9[%add3A_120, %dma_start3A] : memref<10000x128xf32, #tpu.memory_space<vmem_shared>> -> memref<80x128xf32, #tpu.memory_space<vmem_shared>>
        %dma_start3A_122 = arith.constant 0 : i32
        %dma_start3A_123 = tpu.memref_slice %arg9[%add3A_120, %dma_start3A_122] : memref<10000x128xf32, #tpu.memory_space<vmem_shared>> -> memref<80x128xf32, #tpu.memory_space<vmem_shared>>
        tpu.enqueue_dma source(%arg8 : memref<80x128xf32, #tpu.memory_space<vmem>>) target(%dma_start3A_123 : memref<80x128xf32, #tpu.memory_space<vmem_shared>>) target_semaphore(%run_scoped3A : memref<!tpu.dma_semaphore, #tpu.memory_space<semaphore_mem>>)
        %dma_wait3A = arith.constant 0 : i32
        %dma_wait3A_124 = tpu.memref_slice %arg9[%add3A_120, %dma_wait3A] : memref<10000x128xf32, #tpu.memory_space<vmem_shared>> -> memref<80x128xf32, #tpu.memory_space<vmem_shared>>
        %dma_wait3A_125 = arith.constant 0 : i32
        %dma_wait3A_126 = tpu.memref_slice %arg9[%add3A_120, %dma_wait3A_125] : memref<10000x128xf32, #tpu.memory_space<vmem_shared>> -> memref<80x128xf32, #tpu.memory_space<vmem_shared>>
        tpu.wait_dma2 semaphore(%run_scoped3A : memref<!tpu.dma_semaphore, #tpu.memory_space<semaphore_mem>>) src(%arg8 : memref<80x128xf32, #tpu.memory_space<vmem>>) dst(%dma_wait3A_126 : memref<80x128xf32, #tpu.memory_space<vmem_shared>>)
        tpu.yield
      }) : () -> ()
    } else {
    }
    %barrier3A = arith.constant 0 : index
    tpu.barrier barrier_id(%barrier3A)
    %scan3A = arith.constant 0 : i32
    %scan3A_4 = arith.constant 0 : i32
    %scan3A_5 = arith.constant 125 : i32
    %scan3A_6 = arith.addi %scan3A_4, %scan3A_5 : i32
    %scan3A_7 = arith.constant 1 : i32
    scf.for %scan3A_15 = %scan3A_4 to %scan3A_6 step %scan3A_7  : i32 {
      %dma_start3A = arith.constant 0 : i32
      %dma_start3A_16 = tpu.memref_slice %arg6[%scan3A_15, %dma_start3A] : memref<125x80xi32, #tpu.memory_space<vmem>> -> memref<1x80xi32, #tpu.memory_space<vmem>>
      %dma_start3A_17 = tpu.memref_squeeze %dma_start3A_16 : memref<1x80xi32, #tpu.memory_space<vmem>> -> memref<80xi32, #tpu.memory_space<vmem>>
      %dma_start3A_18 = arith.constant 0 : i32
      %dma_start3A_19 = arith.constant 0 : i32
      %dma_start3A_20 = tpu.memref_slice %arg2[%dma_start3A_18, %dma_start3A_19] : memref<10000x128xf32, #tpu.memory_space<hbm>> -> memref<10000x128xf32, #tpu.memory_space<hbm>>
      tpu.enqueue_indirect_dma source(%dma_start3A_20 : memref<10000x128xf32, #tpu.memory_space<hbm>>) target(%arg8 : memref<80x128xf32, #tpu.memory_space<vmem>>) offsets(%dma_start3A_17 : memref<80xi32, #tpu.memory_space<vmem>>) semaphore(%arg10 : memref<!tpu.dma_semaphore, #tpu.memory_space<semaphore_mem>>)
      %dma_wait3A = arith.constant 0 : i32
      %dma_wait3A_21 = tpu.memref_slice %arg6[%scan3A_15, %dma_wait3A] : memref<125x80xi32, #tpu.memory_space<vmem>> -> memref<1x80xi32, #tpu.memory_space<vmem>>
      %dma_wait3A_22 = tpu.memref_squeeze %dma_wait3A_21 : memref<1x80xi32, #tpu.memory_space<vmem>> -> memref<80xi32, #tpu.memory_space<vmem>>
      %dma_wait3A_23 = arith.constant 0 : i32
      %dma_wait3A_24 = arith.constant 0 : i32
      %dma_wait3A_25 = tpu.memref_slice %arg2[%dma_wait3A_23, %dma_wait3A_24] : memref<10000x128xf32, #tpu.memory_space<hbm>> -> memref<10000x128xf32, #tpu.memory_space<hbm>>
      tpu.wait_indirect_dma semaphore(%arg10 : memref<!tpu.dma_semaphore, #tpu.memory_space<semaphore_mem>>) src(%dma_wait3A_25 : memref<10000x128xf32, #tpu.memory_space<hbm>>) dst(%arg8 : memref<80x128xf32, #tpu.memory_space<vmem>>)
      "tpu.region"() ({
        %run_scoped3A = tpu.sem_alloc : memref<!tpu.dma_semaphore, #tpu.memory_space<semaphore_mem>>
        %dma_start3A_26 = arith.constant 0 : i32
        %dma_start3A_27 = tpu.memref_slice %arg7[%scan3A_15, %dma_start3A_26] : memref<125x80xi32, #tpu.memory_space<vmem>> -> memref<1x80xi32, #tpu.memory_space<vmem>>
        %dma_start3A_28 = tpu.memref_squeeze %dma_start3A_27 : memref<1x80xi32, #tpu.memory_space<vmem>> -> memref<80xi32, #tpu.memory_space<vmem>>
        %dma_start3A_29 = arith.constant 0 : i32
        %dma_start3A_30 = arith.constant 0 : i32
        %dma_start3A_31 = tpu.memref_slice %arg9[%dma_start3A_29, %dma_start3A_30] : memref<10000x128xf32, #tpu.memory_space<vmem_shared>> -> memref<10000x128xf32, #tpu.memory_space<vmem_shared>>
        tpu.enqueue_indirect_dma source(%arg8 : memref<80x128xf32, #tpu.memory_space<vmem>>) target(%dma_start3A_31 : memref<10000x128xf32, #tpu.memory_space<vmem_shared>>) offsets(%dma_start3A_28 : memref<80xi32, #tpu.memory_space<vmem>>) semaphore(%run_scoped3A : memref<!tpu.dma_semaphore, #tpu.memory_space<semaphore_mem>>) {add = true}
        %dma_wait3A_32 = arith.constant 0 : i32
        %dma_wait3A_33 = tpu.memref_slice %arg7[%scan3A_15, %dma_wait3A_32] : memref<125x80xi32, #tpu.memory_space<vmem>> -> memref<1x80xi32, #tpu.memory_space<vmem>>
        %dma_wait3A_34 = tpu.memref_squeeze %dma_wait3A_33 : memref<1x80xi32, #tpu.memory_space<vmem>> -> memref<80xi32, #tpu.memory_space<vmem>>
        %dma_wait3A_35 = arith.constant 0 : i32
        %dma_wait3A_36 = arith.constant 0 : i32
        %dma_wait3A_37 = tpu.memref_slice %arg9[%dma_wait3A_35, %dma_wait3A_36] : memref<10000x128xf32, #tpu.memory_space<vmem_shared>> -> memref<10000x128xf32, #tpu.memory_space<vmem_shared>>
        tpu.wait_indirect_dma semaphore(%run_scoped3A : memref<!tpu.dma_semaphore, #tpu.memory_space<semaphore_mem>>) src(%arg8 : memref<80x128xf32, #tpu.memory_space<vmem>>) dst(%dma_wait3A_37 : memref<10000x128xf32, #tpu.memory_space<vmem_shared>>)
        tpu.yield
      }) : () -> ()
    }
    %scan3A_8 = arith.constant 125 : i32
    %barrier3A_9 = arith.constant 0 : index
    tpu.barrier barrier_id(%barrier3A_9)
    %lt3A_10 = arith.constant 5 : i32
    %lt3A_11 = arith.cmpi slt, %arg1, %lt3A_10 : i32
    %convert_element_type3A_12 = arith.extui %lt3A_11 : i1 to i32
    %cond3A_13 = arith.constant 0 : i32
    %cond3A_14 = arith.cmpi ne, %convert_element_type3A_12, %cond3A_13 : i32
    scf.if %cond3A_14 {
      %mul3A_15 = arith.constant 2000 : i32
      %mul3A_16 = arith.muli %arg1, %mul3A_15 : i32
      %mul3A_17 = arith.constant 2000 : i32
      %mul3A_18 = arith.muli %arg1, %mul3A_17 : i32
      "tpu.region"() ({
        %run_scoped3A = tpu.sem_alloc : memref<!tpu.dma_semaphore, #tpu.memory_space<semaphore_mem>>
        %dma_start3A = arith.constant 0 : i32
        %dma_start3A_19 = tpu.memref_slice %arg5[%arg0, %mul3A_18, %dma_start3A] : memref<2x10000x128xf32, #tpu.memory_space<hbm>> -> memref<1x2000x128xf32, #tpu.memory_space<hbm>>
        %dma_start3A_20 = tpu.memref_squeeze %dma_start3A_19 : memref<1x2000x128xf32, #tpu.memory_space<hbm>> -> memref<2000x128xf32, #tpu.memory_space<hbm>>
        %dma_start3A_21 = arith.constant 0 : i32
        %dma_start3A_22 = tpu.memref_slice %arg9[%mul3A_16, %dma_start3A_21] : memref<10000x128xf32, #tpu.memory_space<vmem_shared>> -> memref<2000x128xf32, #tpu.memory_space<vmem_shared>>
        tpu.enqueue_dma source(%dma_start3A_22 : memref<2000x128xf32, #tpu.memory_space<vmem_shared>>) target(%dma_start3A_20 : memref<2000x128xf32, #tpu.memory_space<hbm>>) target_semaphore(%run_scoped3A : memref<!tpu.dma_semaphore, #tpu.memory_space<semaphore_mem>>)
        %dma_wait3A = arith.constant 0 : i32
        %dma_wait3A_23 = tpu.memref_slice %arg5[%arg0, %mul3A_18, %dma_wait3A] : memref<2x10000x128xf32, #tpu.memory_space<hbm>> -> memref<1x2000x128xf32, #tpu.memory_space<hbm>>
        %dma_wait3A_24 = tpu.memref_squeeze %dma_wait3A_23 : memref<1x2000x128xf32, #tpu.memory_space<hbm>> -> memref<2000x128xf32, #tpu.memory_space<hbm>>
        %dma_wait3A_25 = arith.constant 0 : i32
        %dma_wait3A_26 = tpu.memref_slice %arg9[%mul3A_16, %dma_wait3A_25] : memref<10000x128xf32, #tpu.memory_space<vmem_shared>> -> memref<2000x128xf32, #tpu.memory_space<vmem_shared>>
        tpu.wait_dma2 semaphore(%run_scoped3A : memref<!tpu.dma_semaphore, #tpu.memory_space<semaphore_mem>>) src(%dma_wait3A_26 : memref<2000x128xf32, #tpu.memory_space<vmem_shared>>) dst(%dma_wait3A_24 : memref<2000x128xf32, #tpu.memory_space<hbm>>)
        tpu.yield
      }) : () -> ()
    } else {
    }
    return
  }
}

#map = affine_map<(d0, d1) -> (0, 0)>
#map1 = affine_map<(d0, d1) -> (0, 0, 0)>
module attributes {stable_mosaic.version = 14 : i64} {
  func.func @_sc_scatter(%arg0: i32, %arg1: i32, %arg2: memref<10000x128xf32, #tpu.memory_space<hbm>>, %arg3: memref<32x125x80xi32, #tpu.memory_space<hbm>>, %arg4: memref<32x125x80xi32, #tpu.memory_space<hbm>>, %arg5: memref<2x10000x128xf32, #tpu.memory_space<hbm>>, %arg6: memref<125x80xi32, #tpu.memory_space<vmem>>, %arg7: memref<125x80xi32, #tpu.memory_space<vmem>>, %arg8: memref<80x128xf32, #tpu.memory_space<vmem>>, %arg9: memref<10000x128xf32, #tpu.memory_space<vmem_shared>>, %arg10: memref<!tpu.dma_semaphore, #tpu.memory_space<semaphore_mem>>) attributes {dimension_semantics = [#tpu.dimension_semantics<core_parallel>, #tpu.dimension_semantics<subcore_parallel>], iteration_bounds = array<i64: 2, 16>, scalar_prefetch = 0 : i64, scratch_operands = 5 : i64, tpu.core_type = #tpu.core_type<sc_vector_subcore>, window_params = [{transform_indices = #map}, {transform_indices = #map1}, {transform_indices = #map1}, {transform_indices = #map1}]} {
    %mul3A = arith.constant 16 : i32
    %mul3A_0 = arith.muli %arg0, %mul3A : i32
    %add3A = arith.addi %mul3A_0, %arg1 : i32
    "tpu.region"() ({
      %run_scoped3A = tpu.sem_alloc : memref<!tpu.dma_semaphore, #tpu.memory_space<semaphore_mem>>
      %dma_start3A = arith.constant 0 : i32
      %dma_start3A_15 = arith.constant 0 : i32
      %dma_start3A_16 = tpu.memref_slice %arg3[%add3A, %dma_start3A, %dma_start3A_15] : memref<32x125x80xi32, #tpu.memory_space<hbm>> -> memref<1x125x80xi32, #tpu.memory_space<hbm>>
      %dma_start3A_17 = tpu.memref_squeeze %dma_start3A_16 : memref<1x125x80xi32, #tpu.memory_space<hbm>> -> memref<125x80xi32, #tpu.memory_space<hbm>>
      %dma_start3A_18 = arith.constant 0 : i32
      %dma_start3A_19 = arith.constant 0 : i32
      %dma_start3A_20 = tpu.memref_slice %arg3[%add3A, %dma_start3A_18, %dma_start3A_19] : memref<32x125x80xi32, #tpu.memory_space<hbm>> -> memref<1x125x80xi32, #tpu.memory_space<hbm>>
      %dma_start3A_21 = tpu.memref_squeeze %dma_start3A_20 : memref<1x125x80xi32, #tpu.memory_space<hbm>> -> memref<125x80xi32, #tpu.memory_space<hbm>>
      tpu.enqueue_dma source(%dma_start3A_21 : memref<125x80xi32, #tpu.memory_space<hbm>>) target(%arg6 : memref<125x80xi32, #tpu.memory_space<vmem>>) target_semaphore(%run_scoped3A : memref<!tpu.dma_semaphore, #tpu.memory_space<semaphore_mem>>)
      %dma_wait3A = arith.constant 0 : i32
      %dma_wait3A_22 = arith.constant 0 : i32
      %dma_wait3A_23 = tpu.memref_slice %arg3[%add3A, %dma_wait3A, %dma_wait3A_22] : memref<32x125x80xi32, #tpu.memory_space<hbm>> -> memref<1x125x80xi32, #tpu.memory_space<hbm>>
      %dma_wait3A_24 = tpu.memref_squeeze %dma_wait3A_23 : memref<1x125x80xi32, #tpu.memory_space<hbm>> -> memref<125x80xi32, #tpu.memory_space<hbm>>
      %dma_wait3A_25 = arith.constant 0 : i32
      %dma_wait3A_26 = arith.constant 0 : i32
      %dma_wait3A_27 = tpu.memref_slice %arg3[%add3A, %dma_wait3A_25, %dma_wait3A_26] : memref<32x125x80xi32, #tpu.memory_space<hbm>> -> memref<1x125x80xi32, #tpu.memory_space<hbm>>
      %dma_wait3A_28 = tpu.memref_squeeze %dma_wait3A_27 : memref<1x125x80xi32, #tpu.memory_space<hbm>> -> memref<125x80xi32, #tpu.memory_space<hbm>>
      tpu.wait_dma2 semaphore(%run_scoped3A : memref<!tpu.dma_semaphore, #tpu.memory_space<semaphore_mem>>) src(%dma_wait3A_28 : memref<125x80xi32, #tpu.memory_space<hbm>>) dst(%arg6 : memref<125x80xi32, #tpu.memory_space<vmem>>)
      tpu.yield
    }) : () -> ()
    "tpu.region"() ({
      %run_scoped3A = tpu.sem_alloc : memref<!tpu.dma_semaphore, #tpu.memory_space<semaphore_mem>>
      %dma_start3A = arith.constant 0 : i32
      %dma_start3A_15 = arith.constant 0 : i32
      %dma_start3A_16 = tpu.memref_slice %arg4[%add3A, %dma_start3A, %dma_start3A_15] : memref<32x125x80xi32, #tpu.memory_space<hbm>> -> memref<1x125x80xi32, #tpu.memory_space<hbm>>
      %dma_start3A_17 = tpu.memref_squeeze %dma_start3A_16 : memref<1x125x80xi32, #tpu.memory_space<hbm>> -> memref<125x80xi32, #tpu.memory_space<hbm>>
      %dma_start3A_18 = arith.constant 0 : i32
      %dma_start3A_19 = arith.constant 0 : i32
      %dma_start3A_20 = tpu.memref_slice %arg4[%add3A, %dma_start3A_18, %dma_start3A_19] : memref<32x125x80xi32, #tpu.memory_space<hbm>> -> memref<1x125x80xi32, #tpu.memory_space<hbm>>
      %dma_start3A_21 = tpu.memref_squeeze %dma_start3A_20 : memref<1x125x80xi32, #tpu.memory_space<hbm>> -> memref<125x80xi32, #tpu.memory_space<hbm>>
      tpu.enqueue_dma source(%dma_start3A_21 : memref<125x80xi32, #tpu.memory_space<hbm>>) target(%arg7 : memref<125x80xi32, #tpu.memory_space<vmem>>) target_semaphore(%run_scoped3A : memref<!tpu.dma_semaphore, #tpu.memory_space<semaphore_mem>>)
      %dma_wait3A = arith.constant 0 : i32
      %dma_wait3A_22 = arith.constant 0 : i32
      %dma_wait3A_23 = tpu.memref_slice %arg4[%add3A, %dma_wait3A, %dma_wait3A_22] : memref<32x125x80xi32, #tpu.memory_space<hbm>> -> memref<1x125x80xi32, #tpu.memory_space<hbm>>
      %dma_wait3A_24 = tpu.memref_squeeze %dma_wait3A_23 : memref<1x125x80xi32, #tpu.memory_space<hbm>> -> memref<125x80xi32, #tpu.memory_space<hbm>>
      %dma_wait3A_25 = arith.constant 0 : i32
      %dma_wait3A_26 = arith.constant 0 : i32
      %dma_wait3A_27 = tpu.memref_slice %arg4[%add3A, %dma_wait3A_25, %dma_wait3A_26] : memref<32x125x80xi32, #tpu.memory_space<hbm>> -> memref<1x125x80xi32, #tpu.memory_space<hbm>>
      %dma_wait3A_28 = tpu.memref_squeeze %dma_wait3A_27 : memref<1x125x80xi32, #tpu.memory_space<hbm>> -> memref<125x80xi32, #tpu.memory_space<hbm>>
      tpu.wait_dma2 semaphore(%run_scoped3A : memref<!tpu.dma_semaphore, #tpu.memory_space<semaphore_mem>>) src(%dma_wait3A_28 : memref<125x80xi32, #tpu.memory_space<hbm>>) dst(%arg7 : memref<125x80xi32, #tpu.memory_space<vmem>>)
      tpu.yield
    }) : () -> ()
    %broadcast_in_dim3A = arith.constant 0.000000e+00 : f32
    %broadcast_in_dim3A_1 = vector.broadcast %broadcast_in_dim3A : f32 to vector<16xf32>
    %lt3A = arith.constant 5 : i32
    %lt3A_2 = arith.cmpi slt, %arg1, %lt3A : i32
    %convert_element_type3A = arith.extui %lt3A_2 : i1 to i32
    %cond3A = arith.constant 0 : i32
    %cond3A_3 = arith.cmpi ne, %convert_element_type3A, %cond3A : i32
    scf.if %cond3A_3 {
      %scan3A_15 = arith.constant 0 : i32
      %scan3A_16 = arith.constant 0 : i32
      %scan3A_17 = arith.constant 80 : i32
      %scan3A_18 = arith.addi %scan3A_16, %scan3A_17 : i32
      %scan3A_19 = arith.constant 1 : i32
      scf.for %scan3A_121 = %scan3A_16 to %scan3A_18 step %scan3A_19  : i32 {
        %swap3A = arith.index_cast %scan3A_121 : i32 to index
        %swap3A_122 = arith.constant 0 : index
        %swap3A_123 = tpu.vector_load %arg8[%swap3A, %swap3A_122] {strides = array<i32>} : memref<80x128xf32, #tpu.memory_space<vmem>>, vector<1x16xf32>,
        %swap3A_124 = vector.shape_cast %swap3A_123 : vector<1x16xf32> to vector<16xf32>
        %swap3A_125 = vector.shape_cast %broadcast_in_dim3A_1 : vector<16xf32> to vector<1x16xf32>
        tpu.vector_store %arg8[%swap3A, %swap3A_122], %swap3A_125 {strides = array<i32>} : memref<80x128xf32, #tpu.memory_space<vmem>>, vector<1x16xf32>,
        %swap3A_126 = arith.index_cast %scan3A_121 : i32 to index
        %swap3A_127 = arith.constant 16 : index
        %swap3A_128 = tpu.vector_load %arg8[%swap3A_126, %swap3A_127] {strides = array<i32>} : memref<80x128xf32, #tpu.memory_space<vmem>>, vector<1x16xf32>,
        %swap3A_129 = vector.shape_cast %swap3A_128 : vector<1x16xf32> to vector<16xf32>
        %swap3A_130 = vector.shape_cast %broadcast_in_dim3A_1 : vector<16xf32> to vector<1x16xf32>
        tpu.vector_store %arg8[%swap3A_126, %swap3A_127], %swap3A_130 {strides = array<i32>} : memref<80x128xf32, #tpu.memory_space<vmem>>, vector<1x16xf32>,
        %swap3A_131 = arith.index_cast %scan3A_121 : i32 to index
        %swap3A_132 = arith.constant 32 : index
        %swap3A_133 = tpu.vector_load %arg8[%swap3A_131, %swap3A_132] {strides = array<i32>} : memref<80x128xf32, #tpu.memory_space<vmem>>, vector<1x16xf32>,
        %swap3A_134 = vector.shape_cast %swap3A_133 : vector<1x16xf32> to vector<16xf32>
        %swap3A_135 = vector.shape_cast %broadcast_in_dim3A_1 : vector<16xf32> to vector<1x16xf32>
        tpu.vector_store %arg8[%swap3A_131, %swap3A_132], %swap3A_135 {strides = array<i32>} : memref<80x128xf32, #tpu.memory_space<vmem>>, vector<1x16xf32>,
        %swap3A_136 = arith.index_cast %scan3A_121 : i32 to index
        %swap3A_137 = arith.constant 48 : index
        %swap3A_138 = tpu.vector_load %arg8[%swap3A_136, %swap3A_137] {strides = array<i32>} : memref<80x128xf32, #tpu.memory_space<vmem>>, vector<1x16xf32>,
        %swap3A_139 = vector.shape_cast %swap3A_138 : vector<1x16xf32> to vector<16xf32>
        %swap3A_140 = vector.shape_cast %broadcast_in_dim3A_1 : vector<16xf32> to vector<1x16xf32>
        tpu.vector_store %arg8[%swap3A_136, %swap3A_137], %swap3A_140 {strides = array<i32>} : memref<80x128xf32, #tpu.memory_space<vmem>>, vector<1x16xf32>,
        %swap3A_141 = arith.index_cast %scan3A_121 : i32 to index
        %swap3A_142 = arith.constant 64 : index
        %swap3A_143 = tpu.vector_load %arg8[%swap3A_141, %swap3A_142] {strides = array<i32>} : memref<80x128xf32, #tpu.memory_space<vmem>>, vector<1x16xf32>,
        %swap3A_144 = vector.shape_cast %swap3A_143 : vector<1x16xf32> to vector<16xf32>
        %swap3A_145 = vector.shape_cast %broadcast_in_dim3A_1 : vector<16xf32> to vector<1x16xf32>
        tpu.vector_store %arg8[%swap3A_141, %swap3A_142], %swap3A_145 {strides = array<i32>} : memref<80x128xf32, #tpu.memory_space<vmem>>, vector<1x16xf32>,
        %swap3A_146 = arith.index_cast %scan3A_121 : i32 to index
        %swap3A_147 = arith.constant 80 : index
        %swap3A_148 = tpu.vector_load %arg8[%swap3A_146, %swap3A_147] {strides = array<i32>} : memref<80x128xf32, #tpu.memory_space<vmem>>, vector<1x16xf32>,
        %swap3A_149 = vector.shape_cast %swap3A_148 : vector<1x16xf32> to vector<16xf32>
        %swap3A_150 = vector.shape_cast %broadcast_in_dim3A_1 : vector<16xf32> to vector<1x16xf32>
        tpu.vector_store %arg8[%swap3A_146, %swap3A_147], %swap3A_150 {strides = array<i32>} : memref<80x128xf32, #tpu.memory_space<vmem>>, vector<1x16xf32>,
        %swap3A_151 = arith.index_cast %scan3A_121 : i32 to index
        %swap3A_152 = arith.constant 96 : index
        %swap3A_153 = tpu.vector_load %arg8[%swap3A_151, %swap3A_152] {strides = array<i32>} : memref<80x128xf32, #tpu.memory_space<vmem>>, vector<1x16xf32>,
        %swap3A_154 = vector.shape_cast %swap3A_153 : vector<1x16xf32> to vector<16xf32>
        %swap3A_155 = vector.shape_cast %broadcast_in_dim3A_1 : vector<16xf32> to vector<1x16xf32>
        tpu.vector_store %arg8[%swap3A_151, %swap3A_152], %swap3A_155 {strides = array<i32>} : memref<80x128xf32, #tpu.memory_space<vmem>>, vector<1x16xf32>,
        %swap3A_156 = arith.index_cast %scan3A_121 : i32 to index
        %swap3A_157 = arith.constant 112 : index
        %swap3A_158 = tpu.vector_load %arg8[%swap3A_156, %swap3A_157] {strides = array<i32>} : memref<80x128xf32, #tpu.memory_space<vmem>>, vector<1x16xf32>,
        %swap3A_159 = vector.shape_cast %swap3A_158 : vector<1x16xf32> to vector<16xf32>
        %swap3A_160 = vector.shape_cast %broadcast_in_dim3A_1 : vector<16xf32> to vector<1x16xf32>
        tpu.vector_store %arg8[%swap3A_156, %swap3A_157], %swap3A_160 {strides = array<i32>} : memref<80x128xf32, #tpu.memory_space<vmem>>, vector<1x16xf32>,
      }
      %scan3A_20 = arith.constant 80 : i32
      %mul3A_21 = arith.constant 2000 : i32
      %mul3A_22 = arith.muli %arg1, %mul3A_21 : i32
      %add3A_23 = arith.constant 0 : i32
      %add3A_24 = arith.addi %mul3A_22, %add3A_23 : i32
      "tpu.region"() ({
        %run_scoped3A = tpu.sem_alloc : memref<!tpu.dma_semaphore, #tpu.memory_space<semaphore_mem>>
        %dma_start3A = arith.constant 0 : i32
        %dma_start3A_121 = tpu.memref_slice %arg9[%add3A_24, %dma_start3A] : memref<10000x128xf32, #tpu.memory_space<vmem_shared>> -> memref<80x128xf32, #tpu.memory_space<vmem_shared>>
        %dma_start3A_122 = arith.constant 0 : i32
        %dma_start3A_123 = tpu.memref_slice %arg9[%add3A_24, %dma_start3A_122] : memref<10000x128xf32, #tpu.memory_space<vmem_shared>> -> memref<80x128xf32, #tpu.memory_space<vmem_shared>>
        tpu.enqueue_dma source(%arg8 : memref<80x128xf32, #tpu.memory_space<vmem>>) target(%dma_start3A_123 : memref<80x128xf32, #tpu.memory_space<vmem_shared>>) target_semaphore(%run_scoped3A : memref<!tpu.dma_semaphore, #tpu.memory_space<semaphore_mem>>)
        %dma_wait3A = arith.constant 0 : i32
        %dma_wait3A_124 = tpu.memref_slice %arg9[%add3A_24, %dma_wait3A] : memref<10000x128xf32, #tpu.memory_space<vmem_shared>> -> memref<80x128xf32, #tpu.memory_space<vmem_shared>>
        %dma_wait3A_125 = arith.constant 0 : i32
        %dma_wait3A_126 = tpu.memref_slice %arg9[%add3A_24, %dma_wait3A_125] : memref<10000x128xf32, #tpu.memory_space<vmem_shared>> -> memref<80x128xf32, #tpu.memory_space<vmem_shared>>
        tpu.wait_dma2 semaphore(%run_scoped3A : memref<!tpu.dma_semaphore, #tpu.memory_space<semaphore_mem>>) src(%arg8 : memref<80x128xf32, #tpu.memory_space<vmem>>) dst(%dma_wait3A_126 : memref<80x128xf32, #tpu.memory_space<vmem_shared>>)
        tpu.yield
      }) : () -> ()
      %mul3A_25 = arith.constant 2000 : i32
      %mul3A_26 = arith.muli %arg1, %mul3A_25 : i32
      %add3A_27 = arith.constant 80 : i32
      %add3A_28 = arith.addi %mul3A_26, %add3A_27 : i32
      "tpu.region"() ({
        %run_scoped3A = tpu.sem_alloc : memref<!tpu.dma_semaphore, #tpu.memory_space<semaphore_mem>>
        %dma_start3A = arith.constant 0 : i32
        %dma_start3A_121 = tpu.memref_slice %arg9[%add3A_28, %dma_start3A] : memref<10000x128xf32, #tpu.memory_space<vmem_shared>> -> memref<80x128xf32, #tpu.memory_space<vmem_shared>>
        %dma_start3A_122 = arith.constant 0 : i32
        %dma_start3A_123 = tpu.memref_slice %arg9[%add3A_28, %dma_start3A_122] : memref<10000x128xf32, #tpu.memory_space<vmem_shared>> -> memref<80x128xf32, #tpu.memory_space<vmem_shared>>
        tpu.enqueue_dma source(%arg8 : memref<80x128xf32, #tpu.memory_space<vmem>>) target(%dma_start3A_123 : memref<80x128xf32, #tpu.memory_space<vmem_shared>>) target_semaphore(%run_scoped3A : memref<!tpu.dma_semaphore, #tpu.memory_space<semaphore_mem>>)
        %dma_wait3A = arith.constant 0 : i32
        %dma_wait3A_124 = tpu.memref_slice %arg9[%add3A_28, %dma_wait3A] : memref<10000x128xf32, #tpu.memory_space<vmem_shared>> -> memref<80x128xf32, #tpu.memory_space<vmem_shared>>
        %dma_wait3A_125 = arith.constant 0 : i32
        %dma_wait3A_126 = tpu.memref_slice %arg9[%add3A_28, %dma_wait3A_125] : memref<10000x128xf32, #tpu.memory_space<vmem_shared>> -> memref<80x128xf32, #tpu.memory_space<vmem_shared>>
        tpu.wait_dma2 semaphore(%run_scoped3A : memref<!tpu.dma_semaphore, #tpu.memory_space<semaphore_mem>>) src(%arg8 : memref<80x128xf32, #tpu.memory_space<vmem>>) dst(%dma_wait3A_126 : memref<80x128xf32, #tpu.memory_space<vmem_shared>>)
        tpu.yield
      }) : () -> ()
      %mul3A_29 = arith.constant 2000 : i32
      %mul3A_30 = arith.muli %arg1, %mul3A_29 : i32
      %add3A_31 = arith.constant 160 : i32
      %add3A_32 = arith.addi %mul3A_30, %add3A_31 : i32
      "tpu.region"() ({
        %run_scoped3A = tpu.sem_alloc : memref<!tpu.dma_semaphore, #tpu.memory_space<semaphore_mem>>
        %dma_start3A = arith.constant 0 : i32
        %dma_start3A_121 = tpu.memref_slice %arg9[%add3A_32, %dma_start3A] : memref<10000x128xf32, #tpu.memory_space<vmem_shared>> -> memref<80x128xf32, #tpu.memory_space<vmem_shared>>
        %dma_start3A_122 = arith.constant 0 : i32
        %dma_start3A_123 = tpu.memref_slice %arg9[%add3A_32, %dma_start3A_122] : memref<10000x128xf32, #tpu.memory_space<vmem_shared>> -> memref<80x128xf32, #tpu.memory_space<vmem_shared>>
        tpu.enqueue_dma source(%arg8 : memref<80x128xf32, #tpu.memory_space<vmem>>) target(%dma_start3A_123 : memref<80x128xf32, #tpu.memory_space<vmem_shared>>) target_semaphore(%run_scoped3A : memref<!tpu.dma_semaphore, #tpu.memory_space<semaphore_mem>>)
        %dma_wait3A = arith.constant 0 : i32
        %dma_wait3A_124 = tpu.memref_slice %arg9[%add3A_32, %dma_wait3A] : memref<10000x128xf32, #tpu.memory_space<vmem_shared>> -> memref<80x128xf32, #tpu.memory_space<vmem_shared>>
        %dma_wait3A_125 = arith.constant 0 : i32
        %dma_wait3A_126 = tpu.memref_slice %arg9[%add3A_32, %dma_wait3A_125] : memref<10000x128xf32, #tpu.memory_space<vmem_shared>> -> memref<80x128xf32, #tpu.memory_space<vmem_shared>>
        tpu.wait_dma2 semaphore(%run_scoped3A : memref<!tpu.dma_semaphore, #tpu.memory_space<semaphore_mem>>) src(%arg8 : memref<80x128xf32, #tpu.memory_space<vmem>>) dst(%dma_wait3A_126 : memref<80x128xf32, #tpu.memory_space<vmem_shared>>)
        tpu.yield
      }) : () -> ()
      %mul3A_33 = arith.constant 2000 : i32
      %mul3A_34 = arith.muli %arg1, %mul3A_33 : i32
      %add3A_35 = arith.constant 240 : i32
      %add3A_36 = arith.addi %mul3A_34, %add3A_35 : i32
      "tpu.region"() ({
        %run_scoped3A = tpu.sem_alloc : memref<!tpu.dma_semaphore, #tpu.memory_space<semaphore_mem>>
        %dma_start3A = arith.constant 0 : i32
        %dma_start3A_121 = tpu.memref_slice %arg9[%add3A_36, %dma_start3A] : memref<10000x128xf32, #tpu.memory_space<vmem_shared>> -> memref<80x128xf32, #tpu.memory_space<vmem_shared>>
        %dma_start3A_122 = arith.constant 0 : i32
        %dma_start3A_123 = tpu.memref_slice %arg9[%add3A_36, %dma_start3A_122] : memref<10000x128xf32, #tpu.memory_space<vmem_shared>> -> memref<80x128xf32, #tpu.memory_space<vmem_shared>>
        tpu.enqueue_dma source(%arg8 : memref<80x128xf32, #tpu.memory_space<vmem>>) target(%dma_start3A_123 : memref<80x128xf32, #tpu.memory_space<vmem_shared>>) target_semaphore(%run_scoped3A : memref<!tpu.dma_semaphore, #tpu.memory_space<semaphore_mem>>)
        %dma_wait3A = arith.constant 0 : i32
        %dma_wait3A_124 = tpu.memref_slice %arg9[%add3A_36, %dma_wait3A] : memref<10000x128xf32, #tpu.memory_space<vmem_shared>> -> memref<80x128xf32, #tpu.memory_space<vmem_shared>>
        %dma_wait3A_125 = arith.constant 0 : i32
        %dma_wait3A_126 = tpu.memref_slice %arg9[%add3A_36, %dma_wait3A_125] : memref<10000x128xf32, #tpu.memory_space<vmem_shared>> -> memref<80x128xf32, #tpu.memory_space<vmem_shared>>
        tpu.wait_dma2 semaphore(%run_scoped3A : memref<!tpu.dma_semaphore, #tpu.memory_space<semaphore_mem>>) src(%arg8 : memref<80x128xf32, #tpu.memory_space<vmem>>) dst(%dma_wait3A_126 : memref<80x128xf32, #tpu.memory_space<vmem_shared>>)
        tpu.yield
      }) : () -> ()
      %mul3A_37 = arith.constant 2000 : i32
      %mul3A_38 = arith.muli %arg1, %mul3A_37 : i32
      %add3A_39 = arith.constant 320 : i32
      %add3A_40 = arith.addi %mul3A_38, %add3A_39 : i32
      "tpu.region"() ({
        %run_scoped3A = tpu.sem_alloc : memref<!tpu.dma_semaphore, #tpu.memory_space<semaphore_mem>>
        %dma_start3A = arith.constant 0 : i32
        %dma_start3A_121 = tpu.memref_slice %arg9[%add3A_40, %dma_start3A] : memref<10000x128xf32, #tpu.memory_space<vmem_shared>> -> memref<80x128xf32, #tpu.memory_space<vmem_shared>>
        %dma_start3A_122 = arith.constant 0 : i32
        %dma_start3A_123 = tpu.memref_slice %arg9[%add3A_40, %dma_start3A_122] : memref<10000x128xf32, #tpu.memory_space<vmem_shared>> -> memref<80x128xf32, #tpu.memory_space<vmem_shared>>
        tpu.enqueue_dma source(%arg8 : memref<80x128xf32, #tpu.memory_space<vmem>>) target(%dma_start3A_123 : memref<80x128xf32, #tpu.memory_space<vmem_shared>>) target_semaphore(%run_scoped3A : memref<!tpu.dma_semaphore, #tpu.memory_space<semaphore_mem>>)
        %dma_wait3A = arith.constant 0 : i32
        %dma_wait3A_124 = tpu.memref_slice %arg9[%add3A_40, %dma_wait3A] : memref<10000x128xf32, #tpu.memory_space<vmem_shared>> -> memref<80x128xf32, #tpu.memory_space<vmem_shared>>
        %dma_wait3A_125 = arith.constant 0 : i32
        %dma_wait3A_126 = tpu.memref_slice %arg9[%add3A_40, %dma_wait3A_125] : memref<10000x128xf32, #tpu.memory_space<vmem_shared>> -> memref<80x128xf32, #tpu.memory_space<vmem_shared>>
        tpu.wait_dma2 semaphore(%run_scoped3A : memref<!tpu.dma_semaphore, #tpu.memory_space<semaphore_mem>>) src(%arg8 : memref<80x128xf32, #tpu.memory_space<vmem>>) dst(%dma_wait3A_126 : memref<80x128xf32, #tpu.memory_space<vmem_shared>>)
        tpu.yield
      }) : () -> ()
      %mul3A_41 = arith.constant 2000 : i32
      %mul3A_42 = arith.muli %arg1, %mul3A_41 : i32
      %add3A_43 = arith.constant 400 : i32
      %add3A_44 = arith.addi %mul3A_42, %add3A_43 : i32
      "tpu.region"() ({
        %run_scoped3A = tpu.sem_alloc : memref<!tpu.dma_semaphore, #tpu.memory_space<semaphore_mem>>
        %dma_start3A = arith.constant 0 : i32
        %dma_start3A_121 = tpu.memref_slice %arg9[%add3A_44, %dma_start3A] : memref<10000x128xf32, #tpu.memory_space<vmem_shared>> -> memref<80x128xf32, #tpu.memory_space<vmem_shared>>
        %dma_start3A_122 = arith.constant 0 : i32
        %dma_start3A_123 = tpu.memref_slice %arg9[%add3A_44, %dma_start3A_122] : memref<10000x128xf32, #tpu.memory_space<vmem_shared>> -> memref<80x128xf32, #tpu.memory_space<vmem_shared>>
        tpu.enqueue_dma source(%arg8 : memref<80x128xf32, #tpu.memory_space<vmem>>) target(%dma_start3A_123 : memref<80x128xf32, #tpu.memory_space<vmem_shared>>) target_semaphore(%run_scoped3A : memref<!tpu.dma_semaphore, #tpu.memory_space<semaphore_mem>>)
        %dma_wait3A = arith.constant 0 : i32
        %dma_wait3A_124 = tpu.memref_slice %arg9[%add3A_44, %dma_wait3A] : memref<10000x128xf32, #tpu.memory_space<vmem_shared>> -> memref<80x128xf32, #tpu.memory_space<vmem_shared>>
        %dma_wait3A_125 = arith.constant 0 : i32
        %dma_wait3A_126 = tpu.memref_slice %arg9[%add3A_44, %dma_wait3A_125] : memref<10000x128xf32, #tpu.memory_space<vmem_shared>> -> memref<80x128xf32, #tpu.memory_space<vmem_shared>>
        tpu.wait_dma2 semaphore(%run_scoped3A : memref<!tpu.dma_semaphore, #tpu.memory_space<semaphore_mem>>) src(%arg8 : memref<80x128xf32, #tpu.memory_space<vmem>>) dst(%dma_wait3A_126 : memref<80x128xf32, #tpu.memory_space<vmem_shared>>)
        tpu.yield
      }) : () -> ()
      %mul3A_45 = arith.constant 2000 : i32
      %mul3A_46 = arith.muli %arg1, %mul3A_45 : i32
      %add3A_47 = arith.constant 480 : i32
      %add3A_48 = arith.addi %mul3A_46, %add3A_47 : i32
      "tpu.region"() ({
        %run_scoped3A = tpu.sem_alloc : memref<!tpu.dma_semaphore, #tpu.memory_space<semaphore_mem>>
        %dma_start3A = arith.constant 0 : i32
        %dma_start3A_121 = tpu.memref_slice %arg9[%add3A_48, %dma_start3A] : memref<10000x128xf32, #tpu.memory_space<vmem_shared>> -> memref<80x128xf32, #tpu.memory_space<vmem_shared>>
        %dma_start3A_122 = arith.constant 0 : i32
        %dma_start3A_123 = tpu.memref_slice %arg9[%add3A_48, %dma_start3A_122] : memref<10000x128xf32, #tpu.memory_space<vmem_shared>> -> memref<80x128xf32, #tpu.memory_space<vmem_shared>>
        tpu.enqueue_dma source(%arg8 : memref<80x128xf32, #tpu.memory_space<vmem>>) target(%dma_start3A_123 : memref<80x128xf32, #tpu.memory_space<vmem_shared>>) target_semaphore(%run_scoped3A : memref<!tpu.dma_semaphore, #tpu.memory_space<semaphore_mem>>)
        %dma_wait3A = arith.constant 0 : i32
        %dma_wait3A_124 = tpu.memref_slice %arg9[%add3A_48, %dma_wait3A] : memref<10000x128xf32, #tpu.memory_space<vmem_shared>> -> memref<80x128xf32, #tpu.memory_space<vmem_shared>>
        %dma_wait3A_125 = arith.constant 0 : i32
        %dma_wait3A_126 = tpu.memref_slice %arg9[%add3A_48, %dma_wait3A_125] : memref<10000x128xf32, #tpu.memory_space<vmem_shared>> -> memref<80x128xf32, #tpu.memory_space<vmem_shared>>
        tpu.wait_dma2 semaphore(%run_scoped3A : memref<!tpu.dma_semaphore, #tpu.memory_space<semaphore_mem>>) src(%arg8 : memref<80x128xf32, #tpu.memory_space<vmem>>) dst(%dma_wait3A_126 : memref<80x128xf32, #tpu.memory_space<vmem_shared>>)
        tpu.yield
      }) : () -> ()
      %mul3A_49 = arith.constant 2000 : i32
      %mul3A_50 = arith.muli %arg1, %mul3A_49 : i32
      %add3A_51 = arith.constant 560 : i32
      %add3A_52 = arith.addi %mul3A_50, %add3A_51 : i32
      "tpu.region"() ({
        %run_scoped3A = tpu.sem_alloc : memref<!tpu.dma_semaphore, #tpu.memory_space<semaphore_mem>>
        %dma_start3A = arith.constant 0 : i32
        %dma_start3A_121 = tpu.memref_slice %arg9[%add3A_52, %dma_start3A] : memref<10000x128xf32, #tpu.memory_space<vmem_shared>> -> memref<80x128xf32, #tpu.memory_space<vmem_shared>>
        %dma_start3A_122 = arith.constant 0 : i32
        %dma_start3A_123 = tpu.memref_slice %arg9[%add3A_52, %dma_start3A_122] : memref<10000x128xf32, #tpu.memory_space<vmem_shared>> -> memref<80x128xf32, #tpu.memory_space<vmem_shared>>
        tpu.enqueue_dma source(%arg8 : memref<80x128xf32, #tpu.memory_space<vmem>>) target(%dma_start3A_123 : memref<80x128xf32, #tpu.memory_space<vmem_shared>>) target_semaphore(%run_scoped3A : memref<!tpu.dma_semaphore, #tpu.memory_space<semaphore_mem>>)
        %dma_wait3A = arith.constant 0 : i32
        %dma_wait3A_124 = tpu.memref_slice %arg9[%add3A_52, %dma_wait3A] : memref<10000x128xf32, #tpu.memory_space<vmem_shared>> -> memref<80x128xf32, #tpu.memory_space<vmem_shared>>
        %dma_wait3A_125 = arith.constant 0 : i32
        %dma_wait3A_126 = tpu.memref_slice %arg9[%add3A_52, %dma_wait3A_125] : memref<10000x128xf32, #tpu.memory_space<vmem_shared>> -> memref<80x128xf32, #tpu.memory_space<vmem_shared>>
        tpu.wait_dma2 semaphore(%run_scoped3A : memref<!tpu.dma_semaphore, #tpu.memory_space<semaphore_mem>>) src(%arg8 : memref<80x128xf32, #tpu.memory_space<vmem>>) dst(%dma_wait3A_126 : memref<80x128xf32, #tpu.memory_space<vmem_shared>>)
        tpu.yield
      }) : () -> ()
      %mul3A_53 = arith.constant 2000 : i32
      %mul3A_54 = arith.muli %arg1, %mul3A_53 : i32
      %add3A_55 = arith.constant 640 : i32
      %add3A_56 = arith.addi %mul3A_54, %add3A_55 : i32
      "tpu.region"() ({
        %run_scoped3A = tpu.sem_alloc : memref<!tpu.dma_semaphore, #tpu.memory_space<semaphore_mem>>
        %dma_start3A = arith.constant 0 : i32
        %dma_start3A_121 = tpu.memref_slice %arg9[%add3A_56, %dma_start3A] : memref<10000x128xf32, #tpu.memory_space<vmem_shared>> -> memref<80x128xf32, #tpu.memory_space<vmem_shared>>
        %dma_start3A_122 = arith.constant 0 : i32
        %dma_start3A_123 = tpu.memref_slice %arg9[%add3A_56, %dma_start3A_122] : memref<10000x128xf32, #tpu.memory_space<vmem_shared>> -> memref<80x128xf32, #tpu.memory_space<vmem_shared>>
        tpu.enqueue_dma source(%arg8 : memref<80x128xf32, #tpu.memory_space<vmem>>) target(%dma_start3A_123 : memref<80x128xf32, #tpu.memory_space<vmem_shared>>) target_semaphore(%run_scoped3A : memref<!tpu.dma_semaphore, #tpu.memory_space<semaphore_mem>>)
        %dma_wait3A = arith.constant 0 : i32
        %dma_wait3A_124 = tpu.memref_slice %arg9[%add3A_56, %dma_wait3A] : memref<10000x128xf32, #tpu.memory_space<vmem_shared>> -> memref<80x128xf32, #tpu.memory_space<vmem_shared>>
        %dma_wait3A_125 = arith.constant 0 : i32
        %dma_wait3A_126 = tpu.memref_slice %arg9[%add3A_56, %dma_wait3A_125] : memref<10000x128xf32, #tpu.memory_space<vmem_shared>> -> memref<80x128xf32, #tpu.memory_space<vmem_shared>>
        tpu.wait_dma2 semaphore(%run_scoped3A : memref<!tpu.dma_semaphore, #tpu.memory_space<semaphore_mem>>) src(%arg8 : memref<80x128xf32, #tpu.memory_space<vmem>>) dst(%dma_wait3A_126 : memref<80x128xf32, #tpu.memory_space<vmem_shared>>)
        tpu.yield
      }) : () -> ()
      %mul3A_57 = arith.constant 2000 : i32
      %mul3A_58 = arith.muli %arg1, %mul3A_57 : i32
      %add3A_59 = arith.constant 720 : i32
      %add3A_60 = arith.addi %mul3A_58, %add3A_59 : i32
      "tpu.region"() ({
        %run_scoped3A = tpu.sem_alloc : memref<!tpu.dma_semaphore, #tpu.memory_space<semaphore_mem>>
        %dma_start3A = arith.constant 0 : i32
        %dma_start3A_121 = tpu.memref_slice %arg9[%add3A_60, %dma_start3A] : memref<10000x128xf32, #tpu.memory_space<vmem_shared>> -> memref<80x128xf32, #tpu.memory_space<vmem_shared>>
        %dma_start3A_122 = arith.constant 0 : i32
        %dma_start3A_123 = tpu.memref_slice %arg9[%add3A_60, %dma_start3A_122] : memref<10000x128xf32, #tpu.memory_space<vmem_shared>> -> memref<80x128xf32, #tpu.memory_space<vmem_shared>>
        tpu.enqueue_dma source(%arg8 : memref<80x128xf32, #tpu.memory_space<vmem>>) target(%dma_start3A_123 : memref<80x128xf32, #tpu.memory_space<vmem_shared>>) target_semaphore(%run_scoped3A : memref<!tpu.dma_semaphore, #tpu.memory_space<semaphore_mem>>)
        %dma_wait3A = arith.constant 0 : i32
        %dma_wait3A_124 = tpu.memref_slice %arg9[%add3A_60, %dma_wait3A] : memref<10000x128xf32, #tpu.memory_space<vmem_shared>> -> memref<80x128xf32, #tpu.memory_space<vmem_shared>>
        %dma_wait3A_125 = arith.constant 0 : i32
        %dma_wait3A_126 = tpu.memref_slice %arg9[%add3A_60, %dma_wait3A_125] : memref<10000x128xf32, #tpu.memory_space<vmem_shared>> -> memref<80x128xf32, #tpu.memory_space<vmem_shared>>
        tpu.wait_dma2 semaphore(%run_scoped3A : memref<!tpu.dma_semaphore, #tpu.memory_space<semaphore_mem>>) src(%arg8 : memref<80x128xf32, #tpu.memory_space<vmem>>) dst(%dma_wait3A_126 : memref<80x128xf32, #tpu.memory_space<vmem_shared>>)
        tpu.yield
      }) : () -> ()
      %mul3A_61 = arith.constant 2000 : i32
      %mul3A_62 = arith.muli %arg1, %mul3A_61 : i32
      %add3A_63 = arith.constant 800 : i32
      %add3A_64 = arith.addi %mul3A_62, %add3A_63 : i32
      "tpu.region"() ({
        %run_scoped3A = tpu.sem_alloc : memref<!tpu.dma_semaphore, #tpu.memory_space<semaphore_mem>>
        %dma_start3A = arith.constant 0 : i32
        %dma_start3A_121 = tpu.memref_slice %arg9[%add3A_64, %dma_start3A] : memref<10000x128xf32, #tpu.memory_space<vmem_shared>> -> memref<80x128xf32, #tpu.memory_space<vmem_shared>>
        %dma_start3A_122 = arith.constant 0 : i32
        %dma_start3A_123 = tpu.memref_slice %arg9[%add3A_64, %dma_start3A_122] : memref<10000x128xf32, #tpu.memory_space<vmem_shared>> -> memref<80x128xf32, #tpu.memory_space<vmem_shared>>
        tpu.enqueue_dma source(%arg8 : memref<80x128xf32, #tpu.memory_space<vmem>>) target(%dma_start3A_123 : memref<80x128xf32, #tpu.memory_space<vmem_shared>>) target_semaphore(%run_scoped3A : memref<!tpu.dma_semaphore, #tpu.memory_space<semaphore_mem>>)
        %dma_wait3A = arith.constant 0 : i32
        %dma_wait3A_124 = tpu.memref_slice %arg9[%add3A_64, %dma_wait3A] : memref<10000x128xf32, #tpu.memory_space<vmem_shared>> -> memref<80x128xf32, #tpu.memory_space<vmem_shared>>
        %dma_wait3A_125 = arith.constant 0 : i32
        %dma_wait3A_126 = tpu.memref_slice %arg9[%add3A_64, %dma_wait3A_125] : memref<10000x128xf32, #tpu.memory_space<vmem_shared>> -> memref<80x128xf32, #tpu.memory_space<vmem_shared>>
        tpu.wait_dma2 semaphore(%run_scoped3A : memref<!tpu.dma_semaphore, #tpu.memory_space<semaphore_mem>>) src(%arg8 : memref<80x128xf32, #tpu.memory_space<vmem>>) dst(%dma_wait3A_126 : memref<80x128xf32, #tpu.memory_space<vmem_shared>>)
        tpu.yield
      }) : () -> ()
      %mul3A_65 = arith.constant 2000 : i32
      %mul3A_66 = arith.muli %arg1, %mul3A_65 : i32
      %add3A_67 = arith.constant 880 : i32
      %add3A_68 = arith.addi %mul3A_66, %add3A_67 : i32
      "tpu.region"() ({
        %run_scoped3A = tpu.sem_alloc : memref<!tpu.dma_semaphore, #tpu.memory_space<semaphore_mem>>
        %dma_start3A = arith.constant 0 : i32
        %dma_start3A_121 = tpu.memref_slice %arg9[%add3A_68, %dma_start3A] : memref<10000x128xf32, #tpu.memory_space<vmem_shared>> -> memref<80x128xf32, #tpu.memory_space<vmem_shared>>
        %dma_start3A_122 = arith.constant 0 : i32
        %dma_start3A_123 = tpu.memref_slice %arg9[%add3A_68, %dma_start3A_122] : memref<10000x128xf32, #tpu.memory_space<vmem_shared>> -> memref<80x128xf32, #tpu.memory_space<vmem_shared>>
        tpu.enqueue_dma source(%arg8 : memref<80x128xf32, #tpu.memory_space<vmem>>) target(%dma_start3A_123 : memref<80x128xf32, #tpu.memory_space<vmem_shared>>) target_semaphore(%run_scoped3A : memref<!tpu.dma_semaphore, #tpu.memory_space<semaphore_mem>>)
        %dma_wait3A = arith.constant 0 : i32
        %dma_wait3A_124 = tpu.memref_slice %arg9[%add3A_68, %dma_wait3A] : memref<10000x128xf32, #tpu.memory_space<vmem_shared>> -> memref<80x128xf32, #tpu.memory_space<vmem_shared>>
        %dma_wait3A_125 = arith.constant 0 : i32
        %dma_wait3A_126 = tpu.memref_slice %arg9[%add3A_68, %dma_wait3A_125] : memref<10000x128xf32, #tpu.memory_space<vmem_shared>> -> memref<80x128xf32, #tpu.memory_space<vmem_shared>>
        tpu.wait_dma2 semaphore(%run_scoped3A : memref<!tpu.dma_semaphore, #tpu.memory_space<semaphore_mem>>) src(%arg8 : memref<80x128xf32, #tpu.memory_space<vmem>>) dst(%dma_wait3A_126 : memref<80x128xf32, #tpu.memory_space<vmem_shared>>)
        tpu.yield
      }) : () -> ()
      %mul3A_69 = arith.constant 2000 : i32
      %mul3A_70 = arith.muli %arg1, %mul3A_69 : i32
      %add3A_71 = arith.constant 960 : i32
      %add3A_72 = arith.addi %mul3A_70, %add3A_71 : i32
      "tpu.region"() ({
        %run_scoped3A = tpu.sem_alloc : memref<!tpu.dma_semaphore, #tpu.memory_space<semaphore_mem>>
        %dma_start3A = arith.constant 0 : i32
        %dma_start3A_121 = tpu.memref_slice %arg9[%add3A_72, %dma_start3A] : memref<10000x128xf32, #tpu.memory_space<vmem_shared>> -> memref<80x128xf32, #tpu.memory_space<vmem_shared>>
        %dma_start3A_122 = arith.constant 0 : i32
        %dma_start3A_123 = tpu.memref_slice %arg9[%add3A_72, %dma_start3A_122] : memref<10000x128xf32, #tpu.memory_space<vmem_shared>> -> memref<80x128xf32, #tpu.memory_space<vmem_shared>>
        tpu.enqueue_dma source(%arg8 : memref<80x128xf32, #tpu.memory_space<vmem>>) target(%dma_start3A_123 : memref<80x128xf32, #tpu.memory_space<vmem_shared>>) target_semaphore(%run_scoped3A : memref<!tpu.dma_semaphore, #tpu.memory_space<semaphore_mem>>)
        %dma_wait3A = arith.constant 0 : i32
        %dma_wait3A_124 = tpu.memref_slice %arg9[%add3A_72, %dma_wait3A] : memref<10000x128xf32, #tpu.memory_space<vmem_shared>> -> memref<80x128xf32, #tpu.memory_space<vmem_shared>>
        %dma_wait3A_125 = arith.constant 0 : i32
        %dma_wait3A_126 = tpu.memref_slice %arg9[%add3A_72, %dma_wait3A_125] : memref<10000x128xf32, #tpu.memory_space<vmem_shared>> -> memref<80x128xf32, #tpu.memory_space<vmem_shared>>
        tpu.wait_dma2 semaphore(%run_scoped3A : memref<!tpu.dma_semaphore, #tpu.memory_space<semaphore_mem>>) src(%arg8 : memref<80x128xf32, #tpu.memory_space<vmem>>) dst(%dma_wait3A_126 : memref<80x128xf32, #tpu.memory_space<vmem_shared>>)
        tpu.yield
      }) : () -> ()
      %mul3A_73 = arith.constant 2000 : i32
      %mul3A_74 = arith.muli %arg1, %mul3A_73 : i32
      %add3A_75 = arith.constant 1040 : i32
      %add3A_76 = arith.addi %mul3A_74, %add3A_75 : i32
      "tpu.region"() ({
        %run_scoped3A = tpu.sem_alloc : memref<!tpu.dma_semaphore, #tpu.memory_space<semaphore_mem>>
        %dma_start3A = arith.constant 0 : i32
        %dma_start3A_121 = tpu.memref_slice %arg9[%add3A_76, %dma_start3A] : memref<10000x128xf32, #tpu.memory_space<vmem_shared>> -> memref<80x128xf32, #tpu.memory_space<vmem_shared>>
        %dma_start3A_122 = arith.constant 0 : i32
        %dma_start3A_123 = tpu.memref_slice %arg9[%add3A_76, %dma_start3A_122] : memref<10000x128xf32, #tpu.memory_space<vmem_shared>> -> memref<80x128xf32, #tpu.memory_space<vmem_shared>>
        tpu.enqueue_dma source(%arg8 : memref<80x128xf32, #tpu.memory_space<vmem>>) target(%dma_start3A_123 : memref<80x128xf32, #tpu.memory_space<vmem_shared>>) target_semaphore(%run_scoped3A : memref<!tpu.dma_semaphore, #tpu.memory_space<semaphore_mem>>)
        %dma_wait3A = arith.constant 0 : i32
        %dma_wait3A_124 = tpu.memref_slice %arg9[%add3A_76, %dma_wait3A] : memref<10000x128xf32, #tpu.memory_space<vmem_shared>> -> memref<80x128xf32, #tpu.memory_space<vmem_shared>>
        %dma_wait3A_125 = arith.constant 0 : i32
        %dma_wait3A_126 = tpu.memref_slice %arg9[%add3A_76, %dma_wait3A_125] : memref<10000x128xf32, #tpu.memory_space<vmem_shared>> -> memref<80x128xf32, #tpu.memory_space<vmem_shared>>
        tpu.wait_dma2 semaphore(%run_scoped3A : memref<!tpu.dma_semaphore, #tpu.memory_space<semaphore_mem>>) src(%arg8 : memref<80x128xf32, #tpu.memory_space<vmem>>) dst(%dma_wait3A_126 : memref<80x128xf32, #tpu.memory_space<vmem_shared>>)
        tpu.yield
      }) : () -> ()
      %mul3A_77 = arith.constant 2000 : i32
      %mul3A_78 = arith.muli %arg1, %mul3A_77 : i32
      %add3A_79 = arith.constant 1120 : i32
      %add3A_80 = arith.addi %mul3A_78, %add3A_79 : i32
      "tpu.region"() ({
        %run_scoped3A = tpu.sem_alloc : memref<!tpu.dma_semaphore, #tpu.memory_space<semaphore_mem>>
        %dma_start3A = arith.constant 0 : i32
        %dma_start3A_121 = tpu.memref_slice %arg9[%add3A_80, %dma_start3A] : memref<10000x128xf32, #tpu.memory_space<vmem_shared>> -> memref<80x128xf32, #tpu.memory_space<vmem_shared>>
        %dma_start3A_122 = arith.constant 0 : i32
        %dma_start3A_123 = tpu.memref_slice %arg9[%add3A_80, %dma_start3A_122] : memref<10000x128xf32, #tpu.memory_space<vmem_shared>> -> memref<80x128xf32, #tpu.memory_space<vmem_shared>>
        tpu.enqueue_dma source(%arg8 : memref<80x128xf32, #tpu.memory_space<vmem>>) target(%dma_start3A_123 : memref<80x128xf32, #tpu.memory_space<vmem_shared>>) target_semaphore(%run_scoped3A : memref<!tpu.dma_semaphore, #tpu.memory_space<semaphore_mem>>)
        %dma_wait3A = arith.constant 0 : i32
        %dma_wait3A_124 = tpu.memref_slice %arg9[%add3A_80, %dma_wait3A] : memref<10000x128xf32, #tpu.memory_space<vmem_shared>> -> memref<80x128xf32, #tpu.memory_space<vmem_shared>>
        %dma_wait3A_125 = arith.constant 0 : i32
        %dma_wait3A_126 = tpu.memref_slice %arg9[%add3A_80, %dma_wait3A_125] : memref<10000x128xf32, #tpu.memory_space<vmem_shared>> -> memref<80x128xf32, #tpu.memory_space<vmem_shared>>
        tpu.wait_dma2 semaphore(%run_scoped3A : memref<!tpu.dma_semaphore, #tpu.memory_space<semaphore_mem>>) src(%arg8 : memref<80x128xf32, #tpu.memory_space<vmem>>) dst(%dma_wait3A_126 : memref<80x128xf32, #tpu.memory_space<vmem_shared>>)
        tpu.yield
      }) : () -> ()
      %mul3A_81 = arith.constant 2000 : i32
      %mul3A_82 = arith.muli %arg1, %mul3A_81 : i32
      %add3A_83 = arith.constant 1200 : i32
      %add3A_84 = arith.addi %mul3A_82, %add3A_83 : i32
      "tpu.region"() ({
        %run_scoped3A = tpu.sem_alloc : memref<!tpu.dma_semaphore, #tpu.memory_space<semaphore_mem>>
        %dma_start3A = arith.constant 0 : i32
        %dma_start3A_121 = tpu.memref_slice %arg9[%add3A_84, %dma_start3A] : memref<10000x128xf32, #tpu.memory_space<vmem_shared>> -> memref<80x128xf32, #tpu.memory_space<vmem_shared>>
        %dma_start3A_122 = arith.constant 0 : i32
        %dma_start3A_123 = tpu.memref_slice %arg9[%add3A_84, %dma_start3A_122] : memref<10000x128xf32, #tpu.memory_space<vmem_shared>> -> memref<80x128xf32, #tpu.memory_space<vmem_shared>>
        tpu.enqueue_dma source(%arg8 : memref<80x128xf32, #tpu.memory_space<vmem>>) target(%dma_start3A_123 : memref<80x128xf32, #tpu.memory_space<vmem_shared>>) target_semaphore(%run_scoped3A : memref<!tpu.dma_semaphore, #tpu.memory_space<semaphore_mem>>)
        %dma_wait3A = arith.constant 0 : i32
        %dma_wait3A_124 = tpu.memref_slice %arg9[%add3A_84, %dma_wait3A] : memref<10000x128xf32, #tpu.memory_space<vmem_shared>> -> memref<80x128xf32, #tpu.memory_space<vmem_shared>>
        %dma_wait3A_125 = arith.constant 0 : i32
        %dma_wait3A_126 = tpu.memref_slice %arg9[%add3A_84, %dma_wait3A_125] : memref<10000x128xf32, #tpu.memory_space<vmem_shared>> -> memref<80x128xf32, #tpu.memory_space<vmem_shared>>
        tpu.wait_dma2 semaphore(%run_scoped3A : memref<!tpu.dma_semaphore, #tpu.memory_space<semaphore_mem>>) src(%arg8 : memref<80x128xf32, #tpu.memory_space<vmem>>) dst(%dma_wait3A_126 : memref<80x128xf32, #tpu.memory_space<vmem_shared>>)
        tpu.yield
      }) : () -> ()
      %mul3A_85 = arith.constant 2000 : i32
      %mul3A_86 = arith.muli %arg1, %mul3A_85 : i32
      %add3A_87 = arith.constant 1280 : i32
      %add3A_88 = arith.addi %mul3A_86, %add3A_87 : i32
      "tpu.region"() ({
        %run_scoped3A = tpu.sem_alloc : memref<!tpu.dma_semaphore, #tpu.memory_space<semaphore_mem>>
        %dma_start3A = arith.constant 0 : i32
        %dma_start3A_121 = tpu.memref_slice %arg9[%add3A_88, %dma_start3A] : memref<10000x128xf32, #tpu.memory_space<vmem_shared>> -> memref<80x128xf32, #tpu.memory_space<vmem_shared>>
        %dma_start3A_122 = arith.constant 0 : i32
        %dma_start3A_123 = tpu.memref_slice %arg9[%add3A_88, %dma_start3A_122] : memref<10000x128xf32, #tpu.memory_space<vmem_shared>> -> memref<80x128xf32, #tpu.memory_space<vmem_shared>>
        tpu.enqueue_dma source(%arg8 : memref<80x128xf32, #tpu.memory_space<vmem>>) target(%dma_start3A_123 : memref<80x128xf32, #tpu.memory_space<vmem_shared>>) target_semaphore(%run_scoped3A : memref<!tpu.dma_semaphore, #tpu.memory_space<semaphore_mem>>)
        %dma_wait3A = arith.constant 0 : i32
        %dma_wait3A_124 = tpu.memref_slice %arg9[%add3A_88, %dma_wait3A] : memref<10000x128xf32, #tpu.memory_space<vmem_shared>> -> memref<80x128xf32, #tpu.memory_space<vmem_shared>>
        %dma_wait3A_125 = arith.constant 0 : i32
        %dma_wait3A_126 = tpu.memref_slice %arg9[%add3A_88, %dma_wait3A_125] : memref<10000x128xf32, #tpu.memory_space<vmem_shared>> -> memref<80x128xf32, #tpu.memory_space<vmem_shared>>
        tpu.wait_dma2 semaphore(%run_scoped3A : memref<!tpu.dma_semaphore, #tpu.memory_space<semaphore_mem>>) src(%arg8 : memref<80x128xf32, #tpu.memory_space<vmem>>) dst(%dma_wait3A_126 : memref<80x128xf32, #tpu.memory_space<vmem_shared>>)
        tpu.yield
      }) : () -> ()
      %mul3A_89 = arith.constant 2000 : i32
      %mul3A_90 = arith.muli %arg1, %mul3A_89 : i32
      %add3A_91 = arith.constant 1360 : i32
      %add3A_92 = arith.addi %mul3A_90, %add3A_91 : i32
      "tpu.region"() ({
        %run_scoped3A = tpu.sem_alloc : memref<!tpu.dma_semaphore, #tpu.memory_space<semaphore_mem>>
        %dma_start3A = arith.constant 0 : i32
        %dma_start3A_121 = tpu.memref_slice %arg9[%add3A_92, %dma_start3A] : memref<10000x128xf32, #tpu.memory_space<vmem_shared>> -> memref<80x128xf32, #tpu.memory_space<vmem_shared>>
        %dma_start3A_122 = arith.constant 0 : i32
        %dma_start3A_123 = tpu.memref_slice %arg9[%add3A_92, %dma_start3A_122] : memref<10000x128xf32, #tpu.memory_space<vmem_shared>> -> memref<80x128xf32, #tpu.memory_space<vmem_shared>>
        tpu.enqueue_dma source(%arg8 : memref<80x128xf32, #tpu.memory_space<vmem>>) target(%dma_start3A_123 : memref<80x128xf32, #tpu.memory_space<vmem_shared>>) target_semaphore(%run_scoped3A : memref<!tpu.dma_semaphore, #tpu.memory_space<semaphore_mem>>)
        %dma_wait3A = arith.constant 0 : i32
        %dma_wait3A_124 = tpu.memref_slice %arg9[%add3A_92, %dma_wait3A] : memref<10000x128xf32, #tpu.memory_space<vmem_shared>> -> memref<80x128xf32, #tpu.memory_space<vmem_shared>>
        %dma_wait3A_125 = arith.constant 0 : i32
        %dma_wait3A_126 = tpu.memref_slice %arg9[%add3A_92, %dma_wait3A_125] : memref<10000x128xf32, #tpu.memory_space<vmem_shared>> -> memref<80x128xf32, #tpu.memory_space<vmem_shared>>
        tpu.wait_dma2 semaphore(%run_scoped3A : memref<!tpu.dma_semaphore, #tpu.memory_space<semaphore_mem>>) src(%arg8 : memref<80x128xf32, #tpu.memory_space<vmem>>) dst(%dma_wait3A_126 : memref<80x128xf32, #tpu.memory_space<vmem_shared>>)
        tpu.yield
      }) : () -> ()
      %mul3A_93 = arith.constant 2000 : i32
      %mul3A_94 = arith.muli %arg1, %mul3A_93 : i32
      %add3A_95 = arith.constant 1440 : i32
      %add3A_96 = arith.addi %mul3A_94, %add3A_95 : i32
      "tpu.region"() ({
        %run_scoped3A = tpu.sem_alloc : memref<!tpu.dma_semaphore, #tpu.memory_space<semaphore_mem>>
        %dma_start3A = arith.constant 0 : i32
        %dma_start3A_121 = tpu.memref_slice %arg9[%add3A_96, %dma_start3A] : memref<10000x128xf32, #tpu.memory_space<vmem_shared>> -> memref<80x128xf32, #tpu.memory_space<vmem_shared>>
        %dma_start3A_122 = arith.constant 0 : i32
        %dma_start3A_123 = tpu.memref_slice %arg9[%add3A_96, %dma_start3A_122] : memref<10000x128xf32, #tpu.memory_space<vmem_shared>> -> memref<80x128xf32, #tpu.memory_space<vmem_shared>>
        tpu.enqueue_dma source(%arg8 : memref<80x128xf32, #tpu.memory_space<vmem>>) target(%dma_start3A_123 : memref<80x128xf32, #tpu.memory_space<vmem_shared>>) target_semaphore(%run_scoped3A : memref<!tpu.dma_semaphore, #tpu.memory_space<semaphore_mem>>)
        %dma_wait3A = arith.constant 0 : i32
        %dma_wait3A_124 = tpu.memref_slice %arg9[%add3A_96, %dma_wait3A] : memref<10000x128xf32, #tpu.memory_space<vmem_shared>> -> memref<80x128xf32, #tpu.memory_space<vmem_shared>>
        %dma_wait3A_125 = arith.constant 0 : i32
        %dma_wait3A_126 = tpu.memref_slice %arg9[%add3A_96, %dma_wait3A_125] : memref<10000x128xf32, #tpu.memory_space<vmem_shared>> -> memref<80x128xf32, #tpu.memory_space<vmem_shared>>
        tpu.wait_dma2 semaphore(%run_scoped3A : memref<!tpu.dma_semaphore, #tpu.memory_space<semaphore_mem>>) src(%arg8 : memref<80x128xf32, #tpu.memory_space<vmem>>) dst(%dma_wait3A_126 : memref<80x128xf32, #tpu.memory_space<vmem_shared>>)
        tpu.yield
      }) : () -> ()
      %mul3A_97 = arith.constant 2000 : i32
      %mul3A_98 = arith.muli %arg1, %mul3A_97 : i32
      %add3A_99 = arith.constant 1520 : i32
      %add3A_100 = arith.addi %mul3A_98, %add3A_99 : i32
      "tpu.region"() ({
        %run_scoped3A = tpu.sem_alloc : memref<!tpu.dma_semaphore, #tpu.memory_space<semaphore_mem>>
        %dma_start3A = arith.constant 0 : i32
        %dma_start3A_121 = tpu.memref_slice %arg9[%add3A_100, %dma_start3A] : memref<10000x128xf32, #tpu.memory_space<vmem_shared>> -> memref<80x128xf32, #tpu.memory_space<vmem_shared>>
        %dma_start3A_122 = arith.constant 0 : i32
        %dma_start3A_123 = tpu.memref_slice %arg9[%add3A_100, %dma_start3A_122] : memref<10000x128xf32, #tpu.memory_space<vmem_shared>> -> memref<80x128xf32, #tpu.memory_space<vmem_shared>>
        tpu.enqueue_dma source(%arg8 : memref<80x128xf32, #tpu.memory_space<vmem>>) target(%dma_start3A_123 : memref<80x128xf32, #tpu.memory_space<vmem_shared>>) target_semaphore(%run_scoped3A : memref<!tpu.dma_semaphore, #tpu.memory_space<semaphore_mem>>)
        %dma_wait3A = arith.constant 0 : i32
        %dma_wait3A_124 = tpu.memref_slice %arg9[%add3A_100, %dma_wait3A] : memref<10000x128xf32, #tpu.memory_space<vmem_shared>> -> memref<80x128xf32, #tpu.memory_space<vmem_shared>>
        %dma_wait3A_125 = arith.constant 0 : i32
        %dma_wait3A_126 = tpu.memref_slice %arg9[%add3A_100, %dma_wait3A_125] : memref<10000x128xf32, #tpu.memory_space<vmem_shared>> -> memref<80x128xf32, #tpu.memory_space<vmem_shared>>
        tpu.wait_dma2 semaphore(%run_scoped3A : memref<!tpu.dma_semaphore, #tpu.memory_space<semaphore_mem>>) src(%arg8 : memref<80x128xf32, #tpu.memory_space<vmem>>) dst(%dma_wait3A_126 : memref<80x128xf32, #tpu.memory_space<vmem_shared>>)
        tpu.yield
      }) : () -> ()
      %mul3A_101 = arith.constant 2000 : i32
      %mul3A_102 = arith.muli %arg1, %mul3A_101 : i32
      %add3A_103 = arith.constant 1600 : i32
      %add3A_104 = arith.addi %mul3A_102, %add3A_103 : i32
      "tpu.region"() ({
        %run_scoped3A = tpu.sem_alloc : memref<!tpu.dma_semaphore, #tpu.memory_space<semaphore_mem>>
        %dma_start3A = arith.constant 0 : i32
        %dma_start3A_121 = tpu.memref_slice %arg9[%add3A_104, %dma_start3A] : memref<10000x128xf32, #tpu.memory_space<vmem_shared>> -> memref<80x128xf32, #tpu.memory_space<vmem_shared>>
        %dma_start3A_122 = arith.constant 0 : i32
        %dma_start3A_123 = tpu.memref_slice %arg9[%add3A_104, %dma_start3A_122] : memref<10000x128xf32, #tpu.memory_space<vmem_shared>> -> memref<80x128xf32, #tpu.memory_space<vmem_shared>>
        tpu.enqueue_dma source(%arg8 : memref<80x128xf32, #tpu.memory_space<vmem>>) target(%dma_start3A_123 : memref<80x128xf32, #tpu.memory_space<vmem_shared>>) target_semaphore(%run_scoped3A : memref<!tpu.dma_semaphore, #tpu.memory_space<semaphore_mem>>)
        %dma_wait3A = arith.constant 0 : i32
        %dma_wait3A_124 = tpu.memref_slice %arg9[%add3A_104, %dma_wait3A] : memref<10000x128xf32, #tpu.memory_space<vmem_shared>> -> memref<80x128xf32, #tpu.memory_space<vmem_shared>>
        %dma_wait3A_125 = arith.constant 0 : i32
        %dma_wait3A_126 = tpu.memref_slice %arg9[%add3A_104, %dma_wait3A_125] : memref<10000x128xf32, #tpu.memory_space<vmem_shared>> -> memref<80x128xf32, #tpu.memory_space<vmem_shared>>
        tpu.wait_dma2 semaphore(%run_scoped3A : memref<!tpu.dma_semaphore, #tpu.memory_space<semaphore_mem>>) src(%arg8 : memref<80x128xf32, #tpu.memory_space<vmem>>) dst(%dma_wait3A_126 : memref<80x128xf32, #tpu.memory_space<vmem_shared>>)
        tpu.yield
      }) : () -> ()
      %mul3A_105 = arith.constant 2000 : i32
      %mul3A_106 = arith.muli %arg1, %mul3A_105 : i32
      %add3A_107 = arith.constant 1680 : i32
      %add3A_108 = arith.addi %mul3A_106, %add3A_107 : i32
      "tpu.region"() ({
        %run_scoped3A = tpu.sem_alloc : memref<!tpu.dma_semaphore, #tpu.memory_space<semaphore_mem>>
        %dma_start3A = arith.constant 0 : i32
        %dma_start3A_121 = tpu.memref_slice %arg9[%add3A_108, %dma_start3A] : memref<10000x128xf32, #tpu.memory_space<vmem_shared>> -> memref<80x128xf32, #tpu.memory_space<vmem_shared>>
        %dma_start3A_122 = arith.constant 0 : i32
        %dma_start3A_123 = tpu.memref_slice %arg9[%add3A_108, %dma_start3A_122] : memref<10000x128xf32, #tpu.memory_space<vmem_shared>> -> memref<80x128xf32, #tpu.memory_space<vmem_shared>>
        tpu.enqueue_dma source(%arg8 : memref<80x128xf32, #tpu.memory_space<vmem>>) target(%dma_start3A_123 : memref<80x128xf32, #tpu.memory_space<vmem_shared>>) target_semaphore(%run_scoped3A : memref<!tpu.dma_semaphore, #tpu.memory_space<semaphore_mem>>)
        %dma_wait3A = arith.constant 0 : i32
        %dma_wait3A_124 = tpu.memref_slice %arg9[%add3A_108, %dma_wait3A] : memref<10000x128xf32, #tpu.memory_space<vmem_shared>> -> memref<80x128xf32, #tpu.memory_space<vmem_shared>>
        %dma_wait3A_125 = arith.constant 0 : i32
        %dma_wait3A_126 = tpu.memref_slice %arg9[%add3A_108, %dma_wait3A_125] : memref<10000x128xf32, #tpu.memory_space<vmem_shared>> -> memref<80x128xf32, #tpu.memory_space<vmem_shared>>
        tpu.wait_dma2 semaphore(%run_scoped3A : memref<!tpu.dma_semaphore, #tpu.memory_space<semaphore_mem>>) src(%arg8 : memref<80x128xf32, #tpu.memory_space<vmem>>) dst(%dma_wait3A_126 : memref<80x128xf32, #tpu.memory_space<vmem_shared>>)
        tpu.yield
      }) : () -> ()
      %mul3A_109 = arith.constant 2000 : i32
      %mul3A_110 = arith.muli %arg1, %mul3A_109 : i32
      %add3A_111 = arith.constant 1760 : i32
      %add3A_112 = arith.addi %mul3A_110, %add3A_111 : i32
      "tpu.region"() ({
        %run_scoped3A = tpu.sem_alloc : memref<!tpu.dma_semaphore, #tpu.memory_space<semaphore_mem>>
        %dma_start3A = arith.constant 0 : i32
        %dma_start3A_121 = tpu.memref_slice %arg9[%add3A_112, %dma_start3A] : memref<10000x128xf32, #tpu.memory_space<vmem_shared>> -> memref<80x128xf32, #tpu.memory_space<vmem_shared>>
        %dma_start3A_122 = arith.constant 0 : i32
        %dma_start3A_123 = tpu.memref_slice %arg9[%add3A_112, %dma_start3A_122] : memref<10000x128xf32, #tpu.memory_space<vmem_shared>> -> memref<80x128xf32, #tpu.memory_space<vmem_shared>>
        tpu.enqueue_dma source(%arg8 : memref<80x128xf32, #tpu.memory_space<vmem>>) target(%dma_start3A_123 : memref<80x128xf32, #tpu.memory_space<vmem_shared>>) target_semaphore(%run_scoped3A : memref<!tpu.dma_semaphore, #tpu.memory_space<semaphore_mem>>)
        %dma_wait3A = arith.constant 0 : i32
        %dma_wait3A_124 = tpu.memref_slice %arg9[%add3A_112, %dma_wait3A] : memref<10000x128xf32, #tpu.memory_space<vmem_shared>> -> memref<80x128xf32, #tpu.memory_space<vmem_shared>>
        %dma_wait3A_125 = arith.constant 0 : i32
        %dma_wait3A_126 = tpu.memref_slice %arg9[%add3A_112, %dma_wait3A_125] : memref<10000x128xf32, #tpu.memory_space<vmem_shared>> -> memref<80x128xf32, #tpu.memory_space<vmem_shared>>
        tpu.wait_dma2 semaphore(%run_scoped3A : memref<!tpu.dma_semaphore, #tpu.memory_space<semaphore_mem>>) src(%arg8 : memref<80x128xf32, #tpu.memory_space<vmem>>) dst(%dma_wait3A_126 : memref<80x128xf32, #tpu.memory_space<vmem_shared>>)
        tpu.yield
      }) : () -> ()
      %mul3A_113 = arith.constant 2000 : i32
      %mul3A_114 = arith.muli %arg1, %mul3A_113 : i32
      %add3A_115 = arith.constant 1840 : i32
      %add3A_116 = arith.addi %mul3A_114, %add3A_115 : i32
      "tpu.region"() ({
        %run_scoped3A = tpu.sem_alloc : memref<!tpu.dma_semaphore, #tpu.memory_space<semaphore_mem>>
        %dma_start3A = arith.constant 0 : i32
        %dma_start3A_121 = tpu.memref_slice %arg9[%add3A_116, %dma_start3A] : memref<10000x128xf32, #tpu.memory_space<vmem_shared>> -> memref<80x128xf32, #tpu.memory_space<vmem_shared>>
        %dma_start3A_122 = arith.constant 0 : i32
        %dma_start3A_123 = tpu.memref_slice %arg9[%add3A_116, %dma_start3A_122] : memref<10000x128xf32, #tpu.memory_space<vmem_shared>> -> memref<80x128xf32, #tpu.memory_space<vmem_shared>>
        tpu.enqueue_dma source(%arg8 : memref<80x128xf32, #tpu.memory_space<vmem>>) target(%dma_start3A_123 : memref<80x128xf32, #tpu.memory_space<vmem_shared>>) target_semaphore(%run_scoped3A : memref<!tpu.dma_semaphore, #tpu.memory_space<semaphore_mem>>)
        %dma_wait3A = arith.constant 0 : i32
        %dma_wait3A_124 = tpu.memref_slice %arg9[%add3A_116, %dma_wait3A] : memref<10000x128xf32, #tpu.memory_space<vmem_shared>> -> memref<80x128xf32, #tpu.memory_space<vmem_shared>>
        %dma_wait3A_125 = arith.constant 0 : i32
        %dma_wait3A_126 = tpu.memref_slice %arg9[%add3A_116, %dma_wait3A_125] : memref<10000x128xf32, #tpu.memory_space<vmem_shared>> -> memref<80x128xf32, #tpu.memory_space<vmem_shared>>
        tpu.wait_dma2 semaphore(%run_scoped3A : memref<!tpu.dma_semaphore, #tpu.memory_space<semaphore_mem>>) src(%arg8 : memref<80x128xf32, #tpu.memory_space<vmem>>) dst(%dma_wait3A_126 : memref<80x128xf32, #tpu.memory_space<vmem_shared>>)
        tpu.yield
      }) : () -> ()
      %mul3A_117 = arith.constant 2000 : i32
      %mul3A_118 = arith.muli %arg1, %mul3A_117 : i32
      %add3A_119 = arith.constant 1920 : i32
      %add3A_120 = arith.addi %mul3A_118, %add3A_119 : i32
      "tpu.region"() ({
        %run_scoped3A = tpu.sem_alloc : memref<!tpu.dma_semaphore, #tpu.memory_space<semaphore_mem>>
        %dma_start3A = arith.constant 0 : i32
        %dma_start3A_121 = tpu.memref_slice %arg9[%add3A_120, %dma_start3A] : memref<10000x128xf32, #tpu.memory_space<vmem_shared>> -> memref<80x128xf32, #tpu.memory_space<vmem_shared>>
        %dma_start3A_122 = arith.constant 0 : i32
        %dma_start3A_123 = tpu.memref_slice %arg9[%add3A_120, %dma_start3A_122] : memref<10000x128xf32, #tpu.memory_space<vmem_shared>> -> memref<80x128xf32, #tpu.memory_space<vmem_shared>>
        tpu.enqueue_dma source(%arg8 : memref<80x128xf32, #tpu.memory_space<vmem>>) target(%dma_start3A_123 : memref<80x128xf32, #tpu.memory_space<vmem_shared>>) target_semaphore(%run_scoped3A : memref<!tpu.dma_semaphore, #tpu.memory_space<semaphore_mem>>)
        %dma_wait3A = arith.constant 0 : i32
        %dma_wait3A_124 = tpu.memref_slice %arg9[%add3A_120, %dma_wait3A] : memref<10000x128xf32, #tpu.memory_space<vmem_shared>> -> memref<80x128xf32, #tpu.memory_space<vmem_shared>>
        %dma_wait3A_125 = arith.constant 0 : i32
        %dma_wait3A_126 = tpu.memref_slice %arg9[%add3A_120, %dma_wait3A_125] : memref<10000x128xf32, #tpu.memory_space<vmem_shared>> -> memref<80x128xf32, #tpu.memory_space<vmem_shared>>
        tpu.wait_dma2 semaphore(%run_scoped3A : memref<!tpu.dma_semaphore, #tpu.memory_space<semaphore_mem>>) src(%arg8 : memref<80x128xf32, #tpu.memory_space<vmem>>) dst(%dma_wait3A_126 : memref<80x128xf32, #tpu.memory_space<vmem_shared>>)
        tpu.yield
      }) : () -> ()
    } else {
    }
    %barrier3A = arith.constant 0 : index
    tpu.barrier barrier_id(%barrier3A)
    %scan3A = arith.constant 0 : i32
    %scan3A_4 = arith.constant 0 : i32
    %scan3A_5 = arith.constant 125 : i32
    %scan3A_6 = arith.addi %scan3A_4, %scan3A_5 : i32
    %scan3A_7 = arith.constant 1 : i32
    scf.for %scan3A_15 = %scan3A_4 to %scan3A_6 step %scan3A_7  : i32 {
      %dma_start3A = arith.constant 0 : i32
      %dma_start3A_16 = tpu.memref_slice %arg6[%scan3A_15, %dma_start3A] : memref<125x80xi32, #tpu.memory_space<vmem>> -> memref<1x80xi32, #tpu.memory_space<vmem>>
      %dma_start3A_17 = tpu.memref_squeeze %dma_start3A_16 : memref<1x80xi32, #tpu.memory_space<vmem>> -> memref<80xi32, #tpu.memory_space<vmem>>
      %dma_start3A_18 = arith.constant 0 : i32
      %dma_start3A_19 = arith.constant 0 : i32
      %dma_start3A_20 = tpu.memref_slice %arg2[%dma_start3A_18, %dma_start3A_19] : memref<10000x128xf32, #tpu.memory_space<hbm>> -> memref<10000x128xf32, #tpu.memory_space<hbm>>
      tpu.enqueue_indirect_dma source(%dma_start3A_20 : memref<10000x128xf32, #tpu.memory_space<hbm>>) target(%arg8 : memref<80x128xf32, #tpu.memory_space<vmem>>) offsets(%dma_start3A_17 : memref<80xi32, #tpu.memory_space<vmem>>) semaphore(%arg10 : memref<!tpu.dma_semaphore, #tpu.memory_space<semaphore_mem>>)
      %dma_wait3A = arith.constant 0 : i32
      %dma_wait3A_21 = tpu.memref_slice %arg6[%scan3A_15, %dma_wait3A] : memref<125x80xi32, #tpu.memory_space<vmem>> -> memref<1x80xi32, #tpu.memory_space<vmem>>
      %dma_wait3A_22 = tpu.memref_squeeze %dma_wait3A_21 : memref<1x80xi32, #tpu.memory_space<vmem>> -> memref<80xi32, #tpu.memory_space<vmem>>
      %dma_wait3A_23 = arith.constant 0 : i32
      %dma_wait3A_24 = arith.constant 0 : i32
      %dma_wait3A_25 = tpu.memref_slice %arg2[%dma_wait3A_23, %dma_wait3A_24] : memref<10000x128xf32, #tpu.memory_space<hbm>> -> memref<10000x128xf32, #tpu.memory_space<hbm>>
      tpu.wait_indirect_dma semaphore(%arg10 : memref<!tpu.dma_semaphore, #tpu.memory_space<semaphore_mem>>) src(%dma_wait3A_25 : memref<10000x128xf32, #tpu.memory_space<hbm>>) dst(%arg8 : memref<80x128xf32, #tpu.memory_space<vmem>>)
      "tpu.region"() ({
        %run_scoped3A = tpu.sem_alloc : memref<!tpu.dma_semaphore, #tpu.memory_space<semaphore_mem>>
        %dma_start3A_26 = arith.constant 0 : i32
        %dma_start3A_27 = tpu.memref_slice %arg7[%scan3A_15, %dma_start3A_26] : memref<125x80xi32, #tpu.memory_space<vmem>> -> memref<1x80xi32, #tpu.memory_space<vmem>>
        %dma_start3A_28 = tpu.memref_squeeze %dma_start3A_27 : memref<1x80xi32, #tpu.memory_space<vmem>> -> memref<80xi32, #tpu.memory_space<vmem>>
        %dma_start3A_29 = arith.constant 0 : i32
        %dma_start3A_30 = arith.constant 0 : i32
        %dma_start3A_31 = tpu.memref_slice %arg9[%dma_start3A_29, %dma_start3A_30] : memref<10000x128xf32, #tpu.memory_space<vmem_shared>> -> memref<10000x128xf32, #tpu.memory_space<vmem_shared>>
        tpu.enqueue_indirect_dma source(%arg8 : memref<80x128xf32, #tpu.memory_space<vmem>>) target(%dma_start3A_31 : memref<10000x128xf32, #tpu.memory_space<vmem_shared>>) offsets(%dma_start3A_28 : memref<80xi32, #tpu.memory_space<vmem>>) semaphore(%run_scoped3A : memref<!tpu.dma_semaphore, #tpu.memory_space<semaphore_mem>>) {add = true}
        %dma_wait3A_32 = arith.constant 0 : i32
        %dma_wait3A_33 = tpu.memref_slice %arg7[%scan3A_15, %dma_wait3A_32] : memref<125x80xi32, #tpu.memory_space<vmem>> -> memref<1x80xi32, #tpu.memory_space<vmem>>
        %dma_wait3A_34 = tpu.memref_squeeze %dma_wait3A_33 : memref<1x80xi32, #tpu.memory_space<vmem>> -> memref<80xi32, #tpu.memory_space<vmem>>
        %dma_wait3A_35 = arith.constant 0 : i32
        %dma_wait3A_36 = arith.constant 0 : i32
        %dma_wait3A_37 = tpu.memref_slice %arg9[%dma_wait3A_35, %dma_wait3A_36] : memref<10000x128xf32, #tpu.memory_space<vmem_shared>> -> memref<10000x128xf32, #tpu.memory_space<vmem_shared>>
        tpu.wait_indirect_dma semaphore(%run_scoped3A : memref<!tpu.dma_semaphore, #tpu.memory_space<semaphore_mem>>) src(%arg8 : memref<80x128xf32, #tpu.memory_space<vmem>>) dst(%dma_wait3A_37 : memref<10000x128xf32, #tpu.memory_space<vmem_shared>>)
        tpu.yield
      }) : () -> ()
    }
    %scan3A_8 = arith.constant 125 : i32
    %barrier3A_9 = arith.constant 0 : index
    tpu.barrier barrier_id(%barrier3A_9)
    %lt3A_10 = arith.constant 5 : i32
    %lt3A_11 = arith.cmpi slt, %arg1, %lt3A_10 : i32
    %convert_element_type3A_12 = arith.extui %lt3A_11 : i1 to i32
    %cond3A_13 = arith.constant 0 : i32
    %cond3A_14 = arith.cmpi ne, %convert_element_type3A_12, %cond3A_13 : i32
    scf.if %cond3A_14 {
      %mul3A_15 = arith.constant 2000 : i32
      %mul3A_16 = arith.muli %arg1, %mul3A_15 : i32
      %mul3A_17 = arith.constant 2000 : i32
      %mul3A_18 = arith.muli %arg1, %mul3A_17 : i32
      "tpu.region"() ({
        %run_scoped3A = tpu.sem_alloc : memref<!tpu.dma_semaphore, #tpu.memory_space<semaphore_mem>>
        %dma_start3A = arith.constant 0 : i32
        %dma_start3A_19 = tpu.memref_slice %arg5[%arg0, %mul3A_18, %dma_start3A] : memref<2x10000x128xf32, #tpu.memory_space<hbm>> -> memref<1x2000x128xf32, #tpu.memory_space<hbm>>
        %dma_start3A_20 = tpu.memref_squeeze %dma_start3A_19 : memref<1x2000x128xf32, #tpu.memory_space<hbm>> -> memref<2000x128xf32, #tpu.memory_space<hbm>>
        %dma_start3A_21 = arith.constant 0 : i32
        %dma_start3A_22 = tpu.memref_slice %arg9[%mul3A_16, %dma_start3A_21] : memref<10000x128xf32, #tpu.memory_space<vmem_shared>> -> memref<2000x128xf32, #tpu.memory_space<vmem_shared>>
        tpu.enqueue_dma source(%dma_start3A_22 : memref<2000x128xf32, #tpu.memory_space<vmem_shared>>) target(%dma_start3A_20 : memref<2000x128xf32, #tpu.memory_space<hbm>>) target_semaphore(%run_scoped3A : memref<!tpu.dma_semaphore, #tpu.memory_space<semaphore_mem>>)
        %dma_wait3A = arith.constant 0 : i32
        %dma_wait3A_23 = tpu.memref_slice %arg5[%arg0, %mul3A_18, %dma_wait3A] : memref<2x10000x128xf32, #tpu.memory_space<hbm>> -> memref<1x2000x128xf32, #tpu.memory_space<hbm>>
        %dma_wait3A_24 = tpu.memref_squeeze %dma_wait3A_23 : memref<1x2000x128xf32, #tpu.memory_space<hbm>> -> memref<2000x128xf32, #tpu.memory_space<hbm>>
        %dma_wait3A_25 = arith.constant 0 : i32
        %dma_wait3A_26 = tpu.memref_slice %arg9[%mul3A_16, %dma_wait3A_25] : memref<10000x128xf32, #tpu.memory_space<vmem_shared>> -> memref<2000x128xf32, #tpu.memory_space<vmem_shared>>
        tpu.wait_dma2 semaphore(%run_scoped3A : memref<!tpu.dma_semaphore, #tpu.memory_space<semaphore_mem>>) src(%dma_wait3A_26 : memref<2000x128xf32, #tpu.memory_space<vmem_shared>>) dst(%dma_wait3A_24 : memref<2000x128xf32, #tpu.memory_space<hbm>>)
        tpu.yield
      }) : () -> ()
    } else {
    }
    return
  }
}

module attributes {stable_mosaic.version = 14 : i64} {
  func.func @_mm2_body(%arg0: i32, %arg1: memref<1000x128xf32, #tpu.memory_space<vmem>>, %arg2: memref<128x128xf32, #tpu.memory_space<vmem>>, %arg3: memref<128x128xf32, #tpu.memory_space<vmem>>, %arg4: memref<1000x128xf32, #tpu.memory_space<vmem>>, %arg5: memref<1000x128xf32, #tpu.memory_space<vmem>>) attributes {dimension_semantics = [#tpu.dimension_semantics<arbitrary>], iteration_bounds = array<i64: 10>, scalar_prefetch = 0 : i64, scratch_operands = 0 : i64, tpu.core_type = #tpu.core_type<tc>, window_params = [{transform_indices = @transform_0, window_bounds = array<i64: 1000, 128>}, {pipeline_mode = #tpu.pipeline_mode<synchronous>, transform_indices = @transform_1, window_bounds = array<i64: 128, 128>}, {pipeline_mode = #tpu.pipeline_mode<synchronous>, transform_indices = @transform_2, window_bounds = array<i64: 128, 128>}, {transform_indices = @transform_3, window_bounds = array<i64: 1000, 128>}, {transform_indices = @transform_4, window_bounds = array<i64: 1000, 128>}]} {
    %get3A = arith.constant 0 : index
    %get3A_0 = arith.constant 0 : index
    %get3A_1 = vector.load %arg1[%get3A, %get3A_0] : memref<1000x128xf32, #tpu.memory_space<vmem>>, vector<1000x128xf32>
    %get3A_2 = arith.constant 0 : index
    %get3A_3 = arith.constant 0 : index
    %get3A_4 = vector.load %arg2[%get3A_2, %get3A_3] : memref<128x128xf32, #tpu.memory_space<vmem>>, vector<128x128xf32>
    %dot_general3A = arith.constant dense<0.000000e+00> : vector<1000x128xf32>
    %dot_general3A_5 = tpu.matmul %get3A_1, %get3A_4, %dot_general3A {dimension_numbers = #tpu.dot_dimension_numbers<[1], [0], [0], [1], [0, 0, 1, 1], [], []>, transpose_lhs_hint = false} : vector<1000x128xf32>, vector<128x128xf32>, vector<1000x128xf32> -> vector<1000x128xf32>
    %swap3A = arith.constant 0 : index
    %swap3A_6 = arith.constant 0 : index
    %swap3A_7 = vector.load %arg4[%swap3A, %swap3A_6] : memref<1000x128xf32, #tpu.memory_space<vmem>>, vector<1000x128xf32>
    tpu.vector_store %arg4[%swap3A, %swap3A_6], %dot_general3A_5 {strides = array<i32>} : memref<1000x128xf32, #tpu.memory_space<vmem>>, vector<1000x128xf32>,
    %get3A_8 = arith.constant 0 : index
    %get3A_9 = arith.constant 0 : index
    %get3A_10 = vector.load %arg3[%get3A_8, %get3A_9] : memref<128x128xf32, #tpu.memory_space<vmem>>, vector<128x128xf32>
    %dot_general3A_11 = arith.constant dense<0.000000e+00> : vector<1000x128xf32>
    %dot_general3A_12 = tpu.matmul %get3A_1, %get3A_10, %dot_general3A_11 {dimension_numbers = #tpu.dot_dimension_numbers<[1], [0], [0], [1], [0, 0, 1, 1], [], []>, transpose_lhs_hint = false} : vector<1000x128xf32>, vector<128x128xf32>, vector<1000x128xf32> -> vector<1000x128xf32>
    %swap3A_13 = arith.constant 0 : index
    %swap3A_14 = arith.constant 0 : index
    %swap3A_15 = vector.load %arg5[%swap3A_13, %swap3A_14] : memref<1000x128xf32, #tpu.memory_space<vmem>>, vector<1000x128xf32>
    tpu.vector_store %arg5[%swap3A_13, %swap3A_14], %dot_general3A_12 {strides = array<i32>} : memref<1000x128xf32, #tpu.memory_space<vmem>>, vector<1000x128xf32>,
    return
  }
  func.func @transform_0(%arg0: i32) -> (i32, i32) {
    %c0_i32 = arith.constant 0 : i32
    %c0_i32_0 = arith.constant 0 : i32
    return %arg0, %c0_i32 : i32, i32
  }
  func.func @transform_1(%arg0: i32) -> (i32, i32) {
    %c0_i32 = arith.constant 0 : i32
    %c0_i32_0 = arith.constant 0 : i32
    %c0_i32_1 = arith.constant 0 : i32
    return %c0_i32, %c0_i32_0 : i32, i32
  }
  func.func @transform_2(%arg0: i32) -> (i32, i32) {
    %c0_i32 = arith.constant 0 : i32
    %c0_i32_0 = arith.constant 0 : i32
    %c0_i32_1 = arith.constant 0 : i32
    return %c0_i32, %c0_i32_0 : i32, i32
  }
  func.func @transform_3(%arg0: i32) -> (i32, i32) {
    %c0_i32 = arith.constant 0 : i32
    %c0_i32_0 = arith.constant 0 : i32
    return %arg0, %c0_i32 : i32, i32
  }
  func.func @transform_4(%arg0: i32) -> (i32, i32) {
    %c0_i32 = arith.constant 0 : i32
    %c0_i32_0 = arith.constant 0 : i32
    return %arg0, %c0_i32 : i32, i32
  }
}

module attributes {stable_mosaic.version = 14 : i64} {
  func.func @_fuse_mm2_body(%arg0: i32, %arg1: memref<1000x128xf32, #tpu.memory_space<vmem>>, %arg2: memref<1000x128xf32, #tpu.memory_space<vmem>>, %arg3: memref<1000x128xf32, #tpu.memory_space<vmem>>, %arg4: memref<128x128xf32, #tpu.memory_space<vmem>>, %arg5: memref<128x128xf32, #tpu.memory_space<vmem>>, %arg6: memref<1000x128xf32, #tpu.memory_space<vmem>>, %arg7: memref<1000x128xf32, #tpu.memory_space<vmem>>) attributes {dimension_semantics = [#tpu.dimension_semantics<arbitrary>], iteration_bounds = array<i64: 10>, scalar_prefetch = 0 : i64, scratch_operands = 0 : i64, tpu.core_type = #tpu.core_type<tc>, window_params = [{transform_indices = @transform_0, window_bounds = array<i64: 1000, 128>}, {transform_indices = @transform_1, window_bounds = array<i64: 1000, 128>}, {transform_indices = @transform_2, window_bounds = array<i64: 1000, 128>}, {pipeline_mode = #tpu.pipeline_mode<synchronous>, transform_indices = @transform_3, window_bounds = array<i64: 128, 128>}, {pipeline_mode = #tpu.pipeline_mode<synchronous>, transform_indices = @transform_4, window_bounds = array<i64: 128, 128>}, {transform_indices = @transform_5, window_bounds = array<i64: 1000, 128>}, {transform_indices = @transform_6, window_bounds = array<i64: 1000, 128>}]} {
    %get3A = arith.constant 0 : index
    %get3A_0 = arith.constant 0 : index
    %get3A_1 = vector.load %arg1[%get3A, %get3A_0] : memref<1000x128xf32, #tpu.memory_space<vmem>>, vector<1000x128xf32>
    %get3A_2 = arith.constant 0 : index
    %get3A_3 = arith.constant 0 : index
    %get3A_4 = vector.load %arg2[%get3A_2, %get3A_3] : memref<1000x128xf32, #tpu.memory_space<vmem>>, vector<1000x128xf32>
    %add3A = arith.addf %get3A_1, %get3A_4 : vector<1000x128xf32>
    %get3A_5 = arith.constant 0 : index
    %get3A_6 = arith.constant 0 : index
    %get3A_7 = vector.load %arg3[%get3A_5, %get3A_6] : memref<1000x128xf32, #tpu.memory_space<vmem>>, vector<1000x128xf32>
    %add3A_8 = arith.addf %add3A, %get3A_7 : vector<1000x128xf32>
    %max3A = arith.constant 0.000000e+00 : f32
    %max3A_9 = vector.broadcast %max3A : f32 to vector<1000x128xf32>
    %max3A_10 = arith.maximumf %add3A_8, %max3A_9 : vector<1000x128xf32>
    %get3A_11 = arith.constant 0 : index
    %get3A_12 = arith.constant 0 : index
    %get3A_13 = vector.load %arg4[%get3A_11, %get3A_12] : memref<128x128xf32, #tpu.memory_space<vmem>>, vector<128x128xf32>
    %dot_general3A = arith.constant dense<0.000000e+00> : vector<1000x128xf32>
    %dot_general3A_14 = tpu.matmul %max3A_10, %get3A_13, %dot_general3A {dimension_numbers = #tpu.dot_dimension_numbers<[1], [0], [0], [1], [0, 0, 1, 1], [], []>, transpose_lhs_hint = false} : vector<1000x128xf32>, vector<128x128xf32>, vector<1000x128xf32> -> vector<1000x128xf32>
    %swap3A = arith.constant 0 : index
    %swap3A_15 = arith.constant 0 : index
    %swap3A_16 = vector.load %arg6[%swap3A, %swap3A_15] : memref<1000x128xf32, #tpu.memory_space<vmem>>, vector<1000x128xf32>
    tpu.vector_store %arg6[%swap3A, %swap3A_15], %dot_general3A_14 {strides = array<i32>} : memref<1000x128xf32, #tpu.memory_space<vmem>>, vector<1000x128xf32>,
    %get3A_17 = arith.constant 0 : index
    %get3A_18 = arith.constant 0 : index
    %get3A_19 = vector.load %arg5[%get3A_17, %get3A_18] : memref<128x128xf32, #tpu.memory_space<vmem>>, vector<128x128xf32>
    %dot_general3A_20 = arith.constant dense<0.000000e+00> : vector<1000x128xf32>
    %dot_general3A_21 = tpu.matmul %max3A_10, %get3A_19, %dot_general3A_20 {dimension_numbers = #tpu.dot_dimension_numbers<[1], [0], [0], [1], [0, 0, 1, 1], [], []>, transpose_lhs_hint = false} : vector<1000x128xf32>, vector<128x128xf32>, vector<1000x128xf32> -> vector<1000x128xf32>
    %swap3A_22 = arith.constant 0 : index
    %swap3A_23 = arith.constant 0 : index
    %swap3A_24 = vector.load %arg7[%swap3A_22, %swap3A_23] : memref<1000x128xf32, #tpu.memory_space<vmem>>, vector<1000x128xf32>
    tpu.vector_store %arg7[%swap3A_22, %swap3A_23], %dot_general3A_21 {strides = array<i32>} : memref<1000x128xf32, #tpu.memory_space<vmem>>, vector<1000x128xf32>,
    return
  }
  func.func @transform_0(%arg0: i32) -> (i32, i32) {
    %c0_i32 = arith.constant 0 : i32
    %c0_i32_0 = arith.constant 0 : i32
    return %arg0, %c0_i32 : i32, i32
  }
  func.func @transform_1(%arg0: i32) -> (i32, i32) {
    %c0_i32 = arith.constant 0 : i32
    %c0_i32_0 = arith.constant 0 : i32
    return %arg0, %c0_i32 : i32, i32
  }
  func.func @transform_2(%arg0: i32) -> (i32, i32) {
    %c0_i32 = arith.constant 0 : i32
    %c0_i32_0 = arith.constant 0 : i32
    return %arg0, %c0_i32 : i32, i32
  }
  func.func @transform_3(%arg0: i32) -> (i32, i32) {
    %c0_i32 = arith.constant 0 : i32
    %c0_i32_0 = arith.constant 0 : i32
    %c0_i32_1 = arith.constant 0 : i32
    return %c0_i32, %c0_i32_0 : i32, i32
  }
  func.func @transform_4(%arg0: i32) -> (i32, i32) {
    %c0_i32 = arith.constant 0 : i32
    %c0_i32_0 = arith.constant 0 : i32
    %c0_i32_1 = arith.constant 0 : i32
    return %c0_i32, %c0_i32_0 : i32, i32
  }
  func.func @transform_5(%arg0: i32) -> (i32, i32) {
    %c0_i32 = arith.constant 0 : i32
    %c0_i32_0 = arith.constant 0 : i32
    return %arg0, %c0_i32 : i32, i32
  }
  func.func @transform_6(%arg0: i32) -> (i32, i32) {
    %c0_i32 = arith.constant 0 : i32
    %c0_i32_0 = arith.constant 0 : i32
    return %arg0, %c0_i32 : i32, i32
  }
}

module attributes {stable_mosaic.version = 14 : i64} {
  func.func @_pool_out_body(%arg0: memref<10000x128xf32, #tpu.memory_space<vmem>>, %arg1: memref<10000x128xf32, #tpu.memory_space<vmem>>, %arg2: memref<10000x128xf32, #tpu.memory_space<vmem>>, %arg3: memref<1x10000xf32, #tpu.memory_space<vmem>>, %arg4: memref<128x128xf32, #tpu.memory_space<vmem>>, %arg5: memref<64x128xf32, #tpu.memory_space<vmem>>) attributes {dimension_semantics = [], scalar_prefetch = 0 : i64, scratch_operands = 0 : i64, tpu.core_type = #tpu.core_type<tc>} {
    %get3A = arith.constant 0 : index
    %get3A_0 = arith.constant 0 : index
    %get3A_1 = vector.load %arg0[%get3A, %get3A_0] : memref<10000x128xf32, #tpu.memory_space<vmem>>, vector<10000x128xf32>
    %get3A_2 = arith.constant 0 : index
    %get3A_3 = arith.constant 0 : index
    %get3A_4 = vector.load %arg1[%get3A_2, %get3A_3] : memref<10000x128xf32, #tpu.memory_space<vmem>>, vector<10000x128xf32>
    %add3A = arith.addf %get3A_1, %get3A_4 : vector<10000x128xf32>
    %get3A_5 = arith.constant 0 : index
    %get3A_6 = arith.constant 0 : index
    %get3A_7 = vector.load %arg2[%get3A_5, %get3A_6] : memref<10000x128xf32, #tpu.memory_space<vmem>>, vector<10000x128xf32>
    %add3A_8 = arith.addf %add3A, %get3A_7 : vector<10000x128xf32>
    %max3A = arith.constant 0.000000e+00 : f32
    %max3A_9 = vector.broadcast %max3A : f32 to vector<10000x128xf32>
    %max3A_10 = arith.maximumf %add3A_8, %max3A_9 : vector<10000x128xf32>
    %iota3A = tpu.iota {dimensions = array<i32: 0>} : vector<64x10000xi32>
    %convert_element_type3A = arith.sitofp %iota3A : vector<64x10000xi32> to vector<64x10000xf32>
    %get3A_11 = arith.constant 0 : index
    %get3A_12 = arith.constant 0 : index
    %get3A_13 = vector.load %arg3[%get3A_11, %get3A_12] : memref<1x10000xf32, #tpu.memory_space<vmem>>, vector<1x10000xf32>
    %eq3A = vector.broadcast %get3A_13 : vector<1x10000xf32> to vector<64x10000xf32>
    %eq3A_14 = arith.cmpf oeq, %convert_element_type3A, %eq3A : vector<64x10000xf32>
    %convert_element_type3A_15 = arith.extui %eq3A_14 : vector<64x10000xi1> to vector<64x10000xi32>
    %convert_element_type3A_16 = arith.sitofp %convert_element_type3A_15 : vector<64x10000xi32> to vector<64x10000xf32>
    %dot_general3A = arith.constant dense<0.000000e+00> : vector<64x128xf32>
    %dot_general3A_17 = tpu.matmul %convert_element_type3A_16, %max3A_10, %dot_general3A {dimension_numbers = #tpu.dot_dimension_numbers<[1], [0], [0], [1], [0, 0, 1, 1], [], []>, transpose_lhs_hint = false} : vector<64x10000xf32>, vector<10000x128xf32>, vector<64x128xf32> -> vector<64x128xf32>
    %reduce_sum3A = arith.constant dense<0.000000e+00> : vector<64xf32>
    %reduce_sum3A_18 = vector.multi_reduction <add>, %convert_element_type3A_16, %reduce_sum3A [1] : vector<64x10000xf32> to vector<64xf32>
    %broadcast_in_dim3A = vector.shape_cast %reduce_sum3A_18 : vector<64xf32> to vector<64x1xf32>
    %max3A_19 = arith.constant 1.000000e+00 : f32
    %max3A_20 = vector.broadcast %max3A_19 : f32 to vector<64x1xf32>
    %max3A_21 = arith.maximumf %broadcast_in_dim3A, %max3A_20 : vector<64x1xf32>
    %div3A = vector.broadcast %max3A_21 : vector<64x1xf32> to vector<64x128xf32>
    %div3A_22 = arith.divf %dot_general3A_17, %div3A : vector<64x128xf32>
    %get3A_23 = arith.constant 0 : index
    %get3A_24 = arith.constant 0 : index
    %get3A_25 = vector.load %arg4[%get3A_23, %get3A_24] : memref<128x128xf32, #tpu.memory_space<vmem>>, vector<128x128xf32>
    %dot_general3A_26 = arith.constant dense<0.000000e+00> : vector<64x128xf32>
    %dot_general3A_27 = tpu.matmul %div3A_22, %get3A_25, %dot_general3A_26 {dimension_numbers = #tpu.dot_dimension_numbers<[1], [0], [0], [1], [0, 0, 1, 1], [], []>, transpose_lhs_hint = false} : vector<64x128xf32>, vector<128x128xf32>, vector<64x128xf32> -> vector<64x128xf32>
    %swap3A = arith.constant 0 : index
    %swap3A_28 = arith.constant 0 : index
    %swap3A_29 = vector.load %arg5[%swap3A, %swap3A_28] : memref<64x128xf32, #tpu.memory_space<vmem>>, vector<64x128xf32>
    tpu.vector_store %arg5[%swap3A, %swap3A_28], %dot_general3A_27 {strides = array<i32>} : memref<64x128xf32, #tpu.memory_space<vmem>>, vector<64x128xf32>,
    return
  }
}

</mosaic_0001>

<sc_bundles>
// kernel: kernel.10.cloned.1.call-start
scs
__scs_entry_jumppad:
0x0: {  	(pc) =	sbr.rel $0x88, $3  }
0x1: {  	(tag) =	ssettag $0x0;
	lr =	simm.s32 $0x1  }
0x2: {  	[smem:$0x3F99] =	sst lr;
	_ =	strace $0xD0000000  }
0x3: {  	_ = 	snop  }
0x4: {  	_ = 	snop  }
0x5: {  	_ = 	snop  }
0x6: {  	_ = 	snop  }
0x7: {  	_ = 	snop  }
__scs_overlays_trampoline_lowered:
0x8: {  	[smem:$0x3FA8] =	sst s0  }
0x9: {  	[smem:$0x3FA9] =	sst s1  }
0xa: {  	[smem:$0x3FAA] =	sst s2  }
0xb: {  	[smem:$0x3FAB] =	sst s3  }
0xc: {  	[smem:$0x3FAC] =	sst s4  }
0xd: {  	[smem:$0x3FAD] =	sst s5  }
0xe: {  	[smem:$0x3FAE] =	sst s6  }
0xf: {  	[smem:$0x3FAF] =	sst s7  }
0x10: {  	[smem:$0x3FB0] =	sst s8  }
0x11: {  	[smem:$0x3FB1] =	sst s9;
	s0 =	simm.s32 @!p0 $0x0  }
0x12: {  	s1 =	sld [smem:$0x3F97];
	s0 =	simm.s32 @p0 $0x1  }
0x13: {  	[smem:$0x3FB2] =	sst s0;
	s0 =	simm.s32 @!p1 $0x0  }
0x14: {  	s2 =	sld [smem:$0x3F96];
	s0 =	simm.s32 @p1 $0x1  }
0x15: {  	[smem:$0x3FB3] =	sst s0;
	s0 =	simm.s32 @!p2 $0x0  }
0x16: {  	s3 =	sld [smem:$0x3FDB];
	s0 =	simm.s32 @p2 $0x1  }
0x17: {  	s4 =	simm.s32 $0x1BF5;
	[smem:$0x3FB5] =	sst s0  }
0x18: {  	s0 =	sld [smem:$0x3F98];
	_ =	swait.ge [sflag:s4], $0x0  }
0x19: {  	s7 =	sld [smem:$0x3F99]  }
0x1a: {  	s8 =	sadd.s32 $0xFFFFE003, lr  }
0x1b: {  	s9 =	sadd.s32 $0xFFFFFEF7, lr;
	s5 =	simm.s32 $0xFFFFFFFF;
	p2 =	slt.u32 s8, $0xFFFFF086  }
0x1c: {  	p1 =	slt.u32 s9, $0xF7A;
	s5 =	simm.s32 @!p2 $0x0  }
0x1d: {  	s5 =	simm.s32 @p1 $0x1;
	p0 =	seq.s32 s7, s2  }
0x1e: {  	s7 =	smul.u32 @!p0 $0xF7A, s2;
	p2 =	seq.s32 @!p0 s5, $0x0  }
0x1f: {  	s9 =	smul.u32 $0xF7A, s1;
	s8 =	simm.s32 @!p0 $0x1BF5;
	p2 =	por !p2, p0  }
0x20: {  	[sflag:s8] =	ssyncset.s32 @!p0 $0xFFFFF086;
	s6 =	sadd.s32 @!p0 s3, s7;
	s7 =	simm.s32 @!p0 $0x108  }
0x21: {  	s3 =	sadd.s32 s3, s9;
	s6 =	sadd.s32 @!p0 $0x88, s6;
	s7 =	simm.s32 @p2 $0x1082  }
0x22: {  	[simem:s7], [sflag:s8] =	dma.local @!p0 [hbm:s6], $0xF7A  }
0x23: {  	s9 =	sor.u32 $0xD0000000, s2;
	s6 =	simm.s32 $0x108;
	_ =	swait.ge @!p0 [sflag:s8], $0x0  }
0x24: {  	s3 =	sadd.s32 $0x88, s3;
	s6 =	simm.s32 @!p1 $0x1082;
	[sflag:s4] =	ssyncset.s32 $0xFFFFF086  }
0x25: {  	[simem:s6], [sflag:s4] =	dma.local [hbm:s3], $0xF7A  }
0x26: {  	[smem:$0x3F99] =	sst s1;
	(tag) =	ssettag s2;
	_ =	strace s9  }
0x27: {  	s1 =	sld [smem:$0x3FA9]  }
0x28: {  	s2 =	sld [smem:$0x3FAA]  }
0x29: {  	s4 =	sld [smem:$0x3FAC]  }
0x2a: {  	p0 =	seq.s32 s5, $0x0;
	s5 =	sld [smem:$0x3FAD]  }
0x2b: {  	s6 =	sld [smem:$0x3FAE]  }
0x2c: {  	s7 =	sld [smem:$0x3FAF]  }
0x2d: {  	s3 =	simm.s32 $0x108;
	s8 =	sld [smem:$0x3FB0]  }
0x2e: {  	s3 =	simm.s32 @!p0 $0x1082;
	s9 =	sld [smem:$0x3FB1]  }
0x2f: {  	lr =	sadd.s32 s0, s3;
	s0 =	sld [smem:$0x3FA8]  }
0x30: {  	s3 =	sld [smem:$0x3FAB]  }
0x31: {  	[smem:$0x3FB4] =	sst s10  }
0x32: {  	s10 =	sld [smem:$0x3FB2];
	_ =	sdelay $0x3  }
0x33: {  	p0 =	seq.s32 s10, $0x1;
	s10 =	sld [smem:$0x3FB4];
	_ =	sdelay $0x3  }
0x34: {  	[smem:$0x3FB4] =	sst s10  }
0x35: {  	s10 =	sld [smem:$0x3FB3];
	_ =	sdelay $0x3  }
0x36: {  	p1 =	seq.s32 s10, $0x1;
	s10 =	sld [smem:$0x3FB4];
	_ =	sdelay $0x3  }
0x37: {  	[smem:$0x3FB4] =	sst s10  }
0x38: {  	s10 =	sld [smem:$0x3FB5]  }
0x39: {  	_ = 	snop;
	(pc) =	sbr.ind lr, $3  }
0x3a: {  	_ = 	snop  }
0x3b: {  	_ = 	snop  }
0x3c: {  	p2 =	seq.s32 s10, $0x1;
	s10 =	sld [smem:$0x3FB4]  }
0x3d: {  	_ =	shalt  }
0x3e: {  	_ =	shalt  }
0x3f: {  	_ =	shalt  }
0x40: {  	_ =	shalt  }
0x41: {  	_ =	shalt  }
0x42: {  	_ =	shalt  }
0x43: {  	_ =	shalt  }
0x44: {  	_ =	shalt  }
0x45: {  	_ =	shalt  }
0x46: {  	_ =	shalt  }
0x47: {  	_ =	shalt  }
0x48: {  	_ =	shalt  }
0x49: {  	_ =	shalt  }
0x4a: {  	_ =	shalt  }
0x4b: {  	_ =	shalt  }
0x4c: {  	_ =	shalt  }
0x4d: {  	_ =	shalt  }
0x4e: {  	_ =	shalt  }
0x4f: {  	_ =	shalt  }
0x50: {  	_ =	shalt  }
0x51: {  	_ =	shalt  }
0x52: {  	_ =	shalt  }
0x53: {  	_ =	shalt  }
0x54: {  	_ =	shalt  }
0x55: {  	_ =	shalt  }
0x56: {  	_ =	shalt  }
0x57: {  	_ =	shalt  }
0x58: {  	_ =	shalt  }
0x59: {  	_ =	shalt  }
0x5a: {  	_ =	shalt  }
0x5b: {  	_ =	shalt  }
0x5c: {  	_ =	shalt  }
0x5d: {  	_ =	shalt  }
0x5e: {  	_ =	shalt  }
0x5f: {  	_ =	shalt  }
0x60: {  	_ =	shalt  }
0x61: {  	_ =	shalt  }
0x62: {  	_ =	shalt  }
0x63: {  	_ =	shalt  }
0x64: {  	_ =	shalt  }
0x65: {  	_ =	shalt  }
0x66: {  	_ =	shalt  }
0x67: {  	_ =	shalt  }
0x68: {  	_ =	shalt  }
0x69: {  	_ =	shalt  }
0x6a: {  	_ =	shalt  }
0x6b: {  	_ =	shalt  }
0x6c: {  	_ =	shalt  }
0x6d: {  	_ =	shalt  }
0x6e: {  	_ =	shalt  }
0x6f: {  	_ =	shalt  }
0x70: {  	_ =	shalt  }
0x71: {  	_ =	shalt  }
0x72: {  	_ =	shalt  }
0x73: {  	_ =	shalt  }
0x74: {  	_ =	shalt  }
0x75: {  	_ =	shalt  }
0x76: {  	_ =	shalt  }
0x77: {  	_ =	shalt  }
0x78: {  	_ =	shalt  }
0x79: {  	_ =	shalt  }
0x7a: {  	_ =	shalt  }
0x7b: {  	_ =	shalt  }
0x7c: {  	_ =	shalt  }
0x7d: {  	_ =	shalt  }
0x7e: {  	_ =	shalt  }
0x7f: {  	_ =	shalt  }
0x80: {  	_ =	shalt  }
0x81: {  	_ =	shalt  }
0x82: {  	_ =	shalt  }
0x83: {  	_ =	shalt  }
0x84: {  	_ =	shalt  }
0x85: {  	_ =	shalt  }
0x86: {  	_ =	shalt  }
0x87: {  	_ =	shalt  }
.Lfunc_end0:
.L_simem_size_0:
called_computation.1_lowered:
.L_overlay_start_0:
0x88: {  	s2 =	sld [smem:$0x3FD9]  }
0x89: {  	s3 =	sld [smem:$0x3FFE];
	_ =	sdelay $0x1  }
0x8a: {  	s1 =	srdreg.scid  }
0x8b: {  	s0 =	sand.u32 $0x1, s1  }
0x8c: {  	s16 =	sshll.u32 s0, $0xA;
	s2 =	sadd.s32 s3, s2  }
0x8d: {  	s2 =	sadd.s32 s2, s16  }
0x8e: {  	[smem:$0x3FC0] =	sst s2  }
0x8f: {  	_ = 	snop  }
0x90: {  	(tm) =	ssettm $0x1  }
0x91: {  	s17 =	sld [smem:$0x3FFB];
	_ =	sdelay $0x3  }
0x92: {  	_ =	strace s17  }
0x93: {  	s2 =	sld [smem:$0x3FFC];
	_ =	sdelay $0x3  }
0x94: {  	_ =	strace s2  }
0x95: {  	s2 =	sld [smem:$0x3FFD];
	_ =	sdelay $0x3  }
0x96: {  	_ =	strace s2  }
0x97: {  	_ =	strace $0x8FFFFFFF  }
0x98: {  	s18 =	sld [smem:$0x3FDB];
	_ =	sdelay $0x1  }
0x99: {  	s19 =	simm.s32 $_scs_section_size  }
0x9a: {  	s4 =	simm.s32 $_size__tile_overlayer_lowered;
	s5 =	simm.s32 $_tile_overlayer_lowered  }
0x9b: {  	s22 =	simm.s32 $0x1BFF;
	s21 =	sshll.u32 s5, $0x1;
	s2 =	sadd.s32 s19, s18  }
0x9c: {  	s6 =	simm.s32 $0x0;
	s20 =	sshll.u32 s4, $0x1;
	s4 =	sadd.s32 s21, s2  }
0x9d: {  	[timem:s6], [sflag:s22] =	dma.local [hbm:s4], s20  }
0x9e: {  	_ =	swait.ge [sflag:s22], s20  }
0x9f: {  	s3 =	ssub.s32 $0x0, s20;
	[sflag:s22] =	ssyncset.done $0x0  }
0xa0: {  	[sflag:s22] =	ssyncadd.s32 s3;
	_ =	sdelay $0x1  }
0xa1: {  	s23 =	simm.s32 $0x1B8B  }
0xa2: {  	_ =	swait.ge [sflag:s23], $0x1  }
0xa3: {  	[sflag:s23] =	ssyncset.done $0x0  }
0xa4: {  	s25 =	simm.s32 $0x1B8E;
	s24 =	sld [smem:$0x3FFE];
	[sflag:s23] =	ssyncadd.s32 $0xFFFFFFFF  }
0xa5: {  	s26 =	simm.s32 $execute0_lowered;
	[smem:$0x3FD2] =	sst s25  }
0xa6: {  	s4 =	sshll.u32 s26, $0x1;
	_ =	strace $0x80000049;
	[dreg:$0x1] =	wrdreg $0xFFFFFFFF  }
0xa7: {  	s28 =	simm.s32 $_size_execute0_lowered;
	s2 =	sadd.s32 s2, s4;
	[dreg:$0x0] =	wrdreg $0x0  }
0xa8: {  	s4 =	sshll.u32 s28, $0x1;
	[dreg:$0x2] =	wrdreg s2  }
0xa9: {  	[dreg:$0x3] =	wrdreg s4  }
0xaa: {  	[dreg:$0x4] =	wrdreg $0xC0  }
0xab: {  	_ =	task [dreg:s6], $0x5FFFF  }
0xac: {  	[dreg:$0x1] =	wrdreg $0xFFFFFFFF  }
0xad: {  	[dreg:$0x0] =	wrdreg $0x60  }
0xae: {  	[dreg:$0x2] =	wrdreg s24  }
0xaf: {  	[dreg:$0x3] =	wrdreg $0xA8000  }
0xb0: {  	[dreg:$0x4] =	wrdreg $0x9  }
0xb1: {  	_ =	task.clear_ibuf [dreg:s6], $0x5FFFF;
	_ =	strace $0x90000049  }
0xb2: {  	s29 =	simm.s32 $0x9;
	_ =	strace $0x8000004B  }
0xb3: {  	_ =	swait.ge [sflag:s29], $0x1  }
0xb4: {  	[sflag:s29] =	ssyncadd.s32 $0xFFFFFFFF  }
0xb5: {  	_ =	strace $0x9000004B  }
0xb6: {  	_ =	sfence  }
0xb7: {  	s30 =	sld [smem:$0x0];
	_ =	sdelay $0x2  }
0xb8: {  	s31 =	sshll.u32 s1, $0xD;
	s1 =	sshrl.u32 s1, $0x2  }
0xb9: {  	s3 =	sand.u32 $0x4000, s31;
	s1 =	sadd.s32 s1, s30  }
0xba: {  	s0 =	sor.u32 s3, s0;
	s1 =	sshll.u32 s1, $0x11  }
0xbb: {  	s0 =	sor.u32 s1, s0  }
0xbc: {  	s0 =	sadd.s32 $0x8F2B, s0  }
0xbd: {  	[sflag:s0] =	ssyncadd.remote.s32 $0x1  }
0xbe: {  	_ =	sfence.sel $0xFFFF  }
0xbf: {  	[dreg:$0x0] =	wrdreg $0xFFFFFFFF;
	(pc) =	sbr.abs _section_cstart, $3  }
0xc0: {  	[dreg:$0x1] =	wrdreg $0xFFFFFFFF  }
0xc1: {  	_ =	task.clear_ibuf [dreg:s6], $0x2FFFF;
	_ =	strace $0x9FFFFFFF  }
0xc2: {  	(tm) =	ssettm $0x7FFFFFFF  }
0xc3: {  	_ =	shalt  }
tec
execute0_lowered:
.L_overlay_start_1:
0x0: {  	(tag) =	ssettag $0x1  }
0x1: {  	s0 =	rddreg [dreg:$0x0]  }
0x2: {  	s1 =	rddreg [dreg:$0x1];
	s3 =	simm.s32 $0x0  }
0x3: {  	s2 =	srdreg.scid;
	s9 =	stileid.u32;
	s10 =	simm.s32 $0x2  }
0x4: {  	s11 =	simm.s32 $0x4000;
	s12 =	simm.s32 $0x8000;
	s8 =	smul.u32 $0x3E800, s9  }
0x5: {  	[smem:$0x7FF] =	sst s3;
	s2 =	sand.u32 $0x1, s2;
	s13 =	smul.u32 $0xFA000, s9  }
0x6: {  	s7 =	sshll.u32 s9, $0xB;
	s4 =	sadd.s32 $0x21A00, s0;
	s5 =	smul.u32 $0x138800, s2  }
0x7: {  	p0 =	sgt.u32 s9, $0x4;
	s6 =	sshll.u32 s2, $0xF;
	_ =	strace $0x8000004A  }
0x8: {  	s2 =	ssub.s32 $0x2, s2;
	s6 =	sor.u32 s7, s6;
	s7 =	sshrl.u32 s13, $0x2  }
0x9: {  	s14 =	sshrl.u32 s2, $0x1;
	s13 =	simm.s32 $0x50;
	s7 =	sadd.s32 s7, s1  }
0xa: {  	s5 =	sadd.s32 s8, s5;
	s6 =	sadd.s32 s6, s0;
	s15 =	sadd.s32 $0x2800, s7  }
0xb: {  	s2 =	ssub.s32 s2, s14;
	s16 =	sadd.s32 $0x5000, s7;
	[dreg:$0x3] =	wrdreg s15  }
0xc: {  	s14 =	simm.s32 $0x1;
	s17 =	sadd.s32 $0x7800, s7;
	[dreg:$0x4] =	wrdreg s16  }
0xd: {  	s5 =	sshrl.u32 s5, $0x3;
	s18 =	sadd.s32 $0xA000, s7;
	[dreg:$0x5] =	wrdreg s17  }
0xe: {  	s19 =	sadd.s32 $0xC800, s7;
	s20 =	sadd.s32 $0xF000, s7;
	[dreg:$0x6] =	wrdreg s18  }
0xf: {  	s21 =	sadd.s32 $0x11800, s7;
	s22 =	sadd.s32 $0x14000, s7;
	[dreg:$0x7] =	wrdreg s19  }
0x10: {  	s23 =	sadd.s32 $0x16800, s7;
	s24 =	sadd.s32 $0x19000, s7;
	[dreg:$0x8] =	wrdreg s20  }
0x11: {  	s25 =	sadd.s32 $0x1B800, s7;
	s26 =	sadd.s32 $0x1E000, s7;
	[dreg:$0x9] =	wrdreg s21  }
0x12: {  	s28 =	sadd.s32 $0x2D000, s7;
	s29 =	sadd.s32 $0x2F800, s7;
	[dreg:$0xa] =	wrdreg s22  }
0x13: {  	s30 =	sadd.s32 $0x32000, s7;
	s31 =	sadd.s32 $0x34800, s7;
	[dreg:$0xb] =	wrdreg s23  }
0x14: {  	s8 =	sadd.s32 $0x39800, s7;
	s9 =	sadd.s32 $0x3C000, s7;
	[dreg:$0xc] =	wrdreg s24  }
0x15: {  	s0 =	sadd.s32 s5, s0;
	s5 =	sadd.s32 $0x1A00, s6;
	[dreg:$0xd] =	wrdreg s25  }
0x16: {  	s6 =	sadd.s32 $0x11A00, s6;
	[dreg:$0xe] =	wrdreg s26;
	s20 =	sadd.s32 $0x20800, s7  }
0x17: {  	s21 =	sadd.s32 $0x23000, s7;
	s22 =	sadd.s32 $0x25800, s7;
	s23 =	sadd.s32 $0x28000, s7  }
0x18: {  	s25 =	smax.u32 s2, $0x1;
	s19 =	stileid.u32;
	s26 =	sadd.s32 $0x2A800, s7  }
0x19: {  	v0 =	vimm.f32 $0.0e+00;
	s2 =	simm.s32 $0x0;
	s24 =	sadd.s32 $0x48C00, s0;
	s0 =	sadd.s32 $0x37000, s7  }
.LBB2_1:
0x1a: {  	[tilespmem:s3], [sflag:$0x2] =	stream.linear.gather [hbm4b:s5+s3], $0x3E80, $0x38;
	[tilespmem:$0x1E080] =	vst v63  }
0x1b: {  	_ =	swait.ge [sflag:s10], $0x3E80  }
0x1c: {  	[sflag:s10] =	ssyncset.done $0x0  }
.Ltmp0:
0x1d: {  	[sflag:s10] =	ssyncadd.s32 $0xFFFFC180;
	(pc) =	sbr.rel @p0 .LBB2_5-.Ltmp0, $4  }
0x1e: {  	[tilespmem:s11], [sflag:$0x2] =	stream.linear.gather [hbm4b:s6+s3], $0x3E80, $0x38;
	[tilespmem:$0x1E080] =	vst v63  }
0x1f: {  	_ =	swait.ge [sflag:s10], $0x3E80  }
0x20: {  	[sflag:s10] =	ssyncset.done $0x0  }
0x21: {  	[sflag:s10] =	ssyncadd.s32 $0xFFFFC180  }
0x22: {  	s15 =	sshra.s32 s3, $0x2;
	s16 =	sadd.s32 $0x200, s3  }
.LBB2_3:
0x23: {  	p1 =	sne.s32 s16, $0x9E00;
	[tilespmem:s15+$0x8070] =	vst v0  }
0x24: {  	[tilespmem:s15+$0x8000] =	vst v0  }
0x25: {  	[tilespmem:s15+$0x8010] =	vst v0  }
.Ltmp1:
0x26: {  	[tilespmem:s15+$0x8020] =	vst v0;
	(pc) =	sbr.rel @p1 .LBB2_3-.Ltmp1, $4  }
0x27: {  	[tilespmem:s15+$0x8030] =	vst v0  }
0x28: {  	[tilespmem:s15+$0x8040] =	vst v0  }
0x29: {  	[tilespmem:s15+$0x8050] =	vst v0  }
0x2a: {  	[tilespmem:s15+$0x8060] =	vst v0;
	s15 =	sshra.s32 s16, $0x2;
	s16 =	sadd.s32 $0x200, s16  }
0x2b: {  	[tilespmem:s15+$0x8070] =	vst v0  }
0x2c: {  	[tilespmem:s15+$0x8000] =	vst v0  }
0x2d: {  	[tilespmem:s15+$0x8010] =	vst v0  }
0x2e: {  	[tilespmem:s15+$0x8020] =	vst v0  }
0x2f: {  	[tilespmem:s15+$0x8030] =	vst v0  }
0x30: {  	[tilespmem:s15+$0x8040] =	vst v0  }
0x31: {  	[tilespmem:s15+$0x8050] =	vst v0  }
0x32: {  	[tilespmem:s15+$0x8060] =	vst v0  }
0x33: {  	[spmem:s7] =	stream.linear.scatter [tilespmem:s12], [sflag:$0x2], $0x2800, $0x38;
	[tilespmem:$0x1E080] =	vst v63  }
0x34: {  	_ =	swait.ge [sflag:s10], $0x2800  }
0x35: {  	[sflag:s10] =	ssyncset.done $0x0  }
0x36: {  	s16 =	rddreg [dreg:$0x3];
	[sflag:s10] =	ssyncadd.s32 $0xFFFFD800  }
0x37: {  	[spmem:s16] =	stream.linear.scatter [tilespmem:s12], [sflag:$0x2], $0x2800, $0x38;
	[tilespmem:$0x1E080] =	vst v63  }
0x38: {  	_ =	swait.ge [sflag:s10], $0x2800  }
0x39: {  	[sflag:s10] =	ssyncset.done $0x0  }
0x3a: {  	s17 =	rddreg [dreg:$0x4];
	[sflag:s10] =	ssyncadd.s32 $0xFFFFD800  }
0x3b: {  	[spmem:s17] =	stream.linear.scatter [tilespmem:s12], [sflag:$0x2], $0x2800, $0x38;
	[tilespmem:$0x1E080] =	vst v63  }
0x3c: {  	_ =	swait.ge [sflag:s10], $0x2800  }
0x3d: {  	[sflag:s10] =	ssyncset.done $0x0  }
0x3e: {  	s18 =	rddreg [dreg:$0x5];
	[sflag:s10] =	ssyncadd.s32 $0xFFFFD800  }
0x3f: {  	[spmem:s18] =	stream.linear.scatter [tilespmem:s12], [sflag:$0x2], $0x2800, $0x38;
	[tilespmem:$0x1E080] =	vst v63  }
0x40: {  	_ =	swait.ge [sflag:s10], $0x2800  }
0x41: {  	[sflag:s10] =	ssyncset.done $0x0  }
0x42: {  	s16 =	rddreg [dreg:$0x6];
	[sflag:s10] =	ssyncadd.s32 $0xFFFFD800  }
0x43: {  	[spmem:s16] =	stream.linear.scatter [tilespmem:s12], [sflag:$0x2], $0x2800, $0x38;
	[tilespmem:$0x1E080] =	vst v63  }
0x44: {  	_ =	swait.ge [sflag:s10], $0x2800  }
0x45: {  	[sflag:s10] =	ssyncset.done $0x0  }
0x46: {  	s17 =	rddreg [dreg:$0x7];
	[sflag:s10] =	ssyncadd.s32 $0xFFFFD800  }
0x47: {  	[spmem:s17] =	stream.linear.scatter [tilespmem:s12], [sflag:$0x2], $0x2800, $0x38;
	[tilespmem:$0x1E080] =	vst v63  }
0x48: {  	_ =	swait.ge [sflag:s10], $0x2800  }
0x49: {  	[sflag:s10] =	ssyncset.done $0x0  }
0x4a: {  	s18 =	rddreg [dreg:$0x8];
	[sflag:s10] =	ssyncadd.s32 $0xFFFFD800  }
0x4b: {  	[spmem:s18] =	stream.linear.scatter [tilespmem:s12], [sflag:$0x2], $0x2800, $0x38;
	[tilespmem:$0x1E080] =	vst v63  }
0x4c: {  	_ =	swait.ge [sflag:s10], $0x2800  }
0x4d: {  	[sflag:s10] =	ssyncset.done $0x0  }
0x4e: {  	s16 =	rddreg [dreg:$0x9];
	[sflag:s10] =	ssyncadd.s32 $0xFFFFD800  }
0x4f: {  	[spmem:s16] =	stream.linear.scatter [tilespmem:s12], [sflag:$0x2], $0x2800, $0x38;
	[tilespmem:$0x1E080] =	vst v63  }
0x50: {  	_ =	swait.ge [sflag:s10], $0x2800  }
0x51: {  	[sflag:s10] =	ssyncset.done $0x0  }
0x52: {  	s17 =	rddreg [dreg:$0xa];
	[sflag:s10] =	ssyncadd.s32 $0xFFFFD800  }
0x53: {  	[spmem:s17] =	stream.linear.scatter [tilespmem:s12], [sflag:$0x2], $0x2800, $0x38;
	[tilespmem:$0x1E080] =	vst v63  }
0x54: {  	_ =	swait.ge [sflag:s10], $0x2800  }
0x55: {  	[sflag:s10] =	ssyncset.done $0x0  }
0x56: {  	s18 =	rddreg [dreg:$0xb];
	[sflag:s10] =	ssyncadd.s32 $0xFFFFD800  }
0x57: {  	[spmem:s18] =	stream.linear.scatter [tilespmem:s12], [sflag:$0x2], $0x2800, $0x38;
	[tilespmem:$0x1E080] =	vst v63  }
0x58: {  	_ =	swait.ge [sflag:s10], $0x2800  }
0x59: {  	[sflag:s10] =	ssyncset.done $0x0  }
0x5a: {  	s16 =	rddreg [dreg:$0xc];
	[sflag:s10] =	ssyncadd.s32 $0xFFFFD800  }
0x5b: {  	[spmem:s16] =	stream.linear.scatter [tilespmem:s12], [sflag:$0x2], $0x2800, $0x38;
	[tilespmem:$0x1E080] =	vst v63  }
0x5c: {  	_ =	swait.ge [sflag:s10], $0x2800  }
0x5d: {  	[sflag:s10] =	ssyncset.done $0x0  }
0x5e: {  	s17 =	rddreg [dreg:$0xd];
	[sflag:s10] =	ssyncadd.s32 $0xFFFFD800  }
0x5f: {  	[spmem:s17] =	stream.linear.scatter [tilespmem:s12], [sflag:$0x2], $0x2800, $0x38;
	[tilespmem:$0x1E080] =	vst v63  }
0x60: {  	_ =	swait.ge [sflag:s10], $0x2800  }
0x61: {  	[sflag:s10] =	ssyncset.done $0x0  }
0x62: {  	s18 =	rddreg [dreg:$0xe];
	[sflag:s10] =	ssyncadd.s32 $0xFFFFD800  }
0x63: {  	[spmem:s18] =	stream.linear.scatter [tilespmem:s12], [sflag:$0x2], $0x2800, $0x38;
	[tilespmem:$0x1E080] =	vst v63  }
0x64: {  	_ =	swait.ge [sflag:s10], $0x2800  }
0x65: {  	[sflag:s10] =	ssyncset.done $0x0  }
0x66: {  	[sflag:s10] =	ssyncadd.s32 $0xFFFFD800  }
0x67: {  	[spmem:s20] =	stream.linear.scatter [tilespmem:s12], [sflag:$0x2], $0x2800, $0x38;
	[tilespmem:$0x1E080] =	vst v63  }
0x68: {  	_ =	swait.ge [sflag:s10], $0x2800  }
0x69: {  	[sflag:s10] =	ssyncset.done $0x0  }
0x6a: {  	[sflag:s10] =	ssyncadd.s32 $0xFFFFD800  }
0x6b: {  	[spmem:s21] =	stream.linear.scatter [tilespmem:s12], [sflag:$0x2], $0x2800, $0x38;
	[tilespmem:$0x1E080] =	vst v63  }
0x6c: {  	_ =	swait.ge [sflag:s10], $0x2800  }
0x6d: {  	[sflag:s10] =	ssyncset.done $0x0  }
0x6e: {  	[sflag:s10] =	ssyncadd.s32 $0xFFFFD800  }
0x6f: {  	[spmem:s22] =	stream.linear.scatter [tilespmem:s12], [sflag:$0x2], $0x2800, $0x38;
	[tilespmem:$0x1E080] =	vst v63  }
0x70: {  	_ =	swait.ge [sflag:s10], $0x2800  }
0x71: {  	[sflag:s10] =	ssyncset.done $0x0  }
0x72: {  	[sflag:s10] =	ssyncadd.s32 $0xFFFFD800  }
0x73: {  	[spmem:s23] =	stream.linear.scatter [tilespmem:s12], [sflag:$0x2], $0x2800, $0x38;
	[tilespmem:$0x1E080] =	vst v63  }
0x74: {  	_ =	swait.ge [sflag:s10], $0x2800  }
0x75: {  	[sflag:s10] =	ssyncset.done $0x0  }
0x76: {  	[sflag:s10] =	ssyncadd.s32 $0xFFFFD800  }
0x77: {  	[spmem:s26] =	stream.linear.scatter [tilespmem:s12], [sflag:$0x2], $0x2800, $0x38;
	[tilespmem:$0x1E080] =	vst v63  }
0x78: {  	_ =	swait.ge [sflag:s10], $0x2800  }
0x79: {  	[sflag:s10] =	ssyncset.done $0x0  }
0x7a: {  	[sflag:s10] =	ssyncadd.s32 $0xFFFFD800  }
0x7b: {  	[spmem:s28] =	stream.linear.scatter [tilespmem:s12], [sflag:$0x2], $0x2800, $0x38;
	[tilespmem:$0x1E080] =	vst v63  }
0x7c: {  	_ =	swait.ge [sflag:s10], $0x2800  }
0x7d: {  	[sflag:s10] =	ssyncset.done $0x0  }
0x7e: {  	[sflag:s10] =	ssyncadd.s32 $0xFFFFD800  }
0x7f: {  	[spmem:s29] =	stream.linear.scatter [tilespmem:s12], [sflag:$0x2], $0x2800, $0x38;
	[tilespmem:$0x1E080] =	vst v63  }
0x80: {  	_ =	swait.ge [sflag:s10], $0x2800  }
0x81: {  	[sflag:s10] =	ssyncset.done $0x0  }
0x82: {  	[sflag:s10] =	ssyncadd.s32 $0xFFFFD800  }
0x83: {  	[spmem:s30] =	stream.linear.scatter [tilespmem:s12], [sflag:$0x2], $0x2800, $0x38;
	[tilespmem:$0x1E080] =	vst v63  }
0x84: {  	_ =	swait.ge [sflag:s10], $0x2800  }
0x85: {  	[sflag:s10] =	ssyncset.done $0x0  }
0x86: {  	[sflag:s10] =	ssyncadd.s32 $0xFFFFD800  }
0x87: {  	[spmem:s31] =	stream.linear.scatter [tilespmem:s12], [sflag:$0x2], $0x2800, $0x38;
	[tilespmem:$0x1E080] =	vst v63  }
0x88: {  	_ =	swait.ge [sflag:s10], $0x2800  }
0x89: {  	[sflag:s10] =	ssyncset.done $0x0  }
0x8a: {  	[sflag:s10] =	ssyncadd.s32 $0xFFFFD800  }
0x8b: {  	[spmem:s0] =	stream.linear.scatter [tilespmem:s12], [sflag:$0x2], $0x2800, $0x38;
	[tilespmem:$0x1E080] =	vst v63  }
0x8c: {  	_ =	swait.ge [sflag:s10], $0x2800  }
0x8d: {  	[sflag:s10] =	ssyncset.done $0x0  }
0x8e: {  	[sflag:s10] =	ssyncadd.s32 $0xFFFFD800  }
0x8f: {  	[spmem:s8] =	stream.linear.scatter [tilespmem:s12], [sflag:$0x2], $0x2800, $0x38;
	[tilespmem:$0x1E080] =	vst v63  }
0x90: {  	_ =	swait.ge [sflag:s10], $0x2800  }
0x91: {  	[sflag:s10] =	ssyncset.done $0x0  }
0x92: {  	[sflag:s10] =	ssyncadd.s32 $0xFFFFD800  }
0x93: {  	[spmem:s9] =	stream.linear.scatter [tilespmem:s12], [sflag:$0x2], $0x2800, $0x38;
	[tilespmem:$0x1E080] =	vst v63  }
0x94: {  	_ =	swait.ge [sflag:s10], $0x2800  }
0x95: {  	[sflag:s10] =	ssyncset.done $0x0  }
0x96: {  	[sflag:s10] =	ssyncadd.s32 $0xFFFFD800  }
.LBB2_5:
0x97: {  	[bflag:$0x0] =	sbarrier.arrive $0xFFFF;
	s15 =	simm.s32 $0x0  }
0x98: {  	[tilespmem:s12], [sflag:$0x1] =	stream.indirect.gather [hbm4b:s4+s13], $0x80, s15, s13, $0xb8;
	[tilespmem:$0x1E080] =	vst v63  }
0x99: {  	_ =	swait.ge [sflag:s14], $0x2800  }
0x9a: {  	[sflag:s14] =	ssyncset.done $0x0  }
0x9b: {  	s18 =	simm.s32 $0x4000;
	[sflag:s14] =	ssyncadd.s32 $0xFFFFD800  }
0x9c: {  	[spmem:s1] =	stream.indirect.scatter.add.f32 [tilespmem:s12], [sflag:$0x2], $0x80, s18, s13, $0xb8;
	[tilespmem:$0x1E080] =	vst v63  }
0x9d: {  	_ =	swait.ge [sflag:s10], $0x2800  }
0x9e: {  	s16 =	simm.s32 $0x400;
	s15 =	simm.s32 $0x200;
	[sflag:s10] =	ssyncset.done $0x0  }
.LBB2_6:
0x9f: {  	s17 =	sshra.s32 s15, $0x2  }
0xa0: {  	[sflag:s10] =	ssyncadd.s32 $0xFFFFD800;
	s15 =	smov.u32 s16;
	s18 =	sadd.s32 $0x200, s16  }
0xa1: {  	[tilespmem:s12], [sflag:$0x1] =	stream.indirect.gather [hbm4b:s4+s13], $0x80, s17, s13, $0xb8;
	[tilespmem:$0x1E080] =	vst v63  }
0xa2: {  	p1 =	sne.s32 s16, $0xF800;
	_ =	swait.ge [sflag:s14], $0x2800  }
.Ltmp2:
0xa3: {  	[sflag:s14] =	ssyncset.done $0x0;
	(pc) =	sbr.rel @p1 .LBB2_6-.Ltmp2, $4  }
0xa4: {  	s16 =	sadd.s32 $0x4000, s17;
	[sflag:s14] =	ssyncadd.s32 $0xFFFFD800  }
0xa5: {  	[spmem:s1] =	stream.indirect.scatter.add.f32 [tilespmem:s12], [sflag:$0x2], $0x80, s16, s13, $0xb8;
	[tilespmem:$0x1E080] =	vst v63  }
0xa6: {  	_ =	swait.ge [sflag:s10], $0x2800  }
0xa7: {  	s16 =	smov.u32 s18;
	[sflag:s10] =	ssyncset.done $0x0  }
0xa8: {  	s15 =	sshra.s32 s15, $0x2;
	[sflag:s10] =	ssyncadd.s32 $0xFFFFD800  }
0xa9: {  	[tilespmem:s12], [sflag:$0x1] =	stream.indirect.gather [hbm4b:s4+s13], $0x80, s15, s13, $0xb8;
	[tilespmem:$0x1E080] =	vst v63  }
0xaa: {  	_ =	swait.ge [sflag:s14], $0x2800  }
0xab: {  	[sflag:s14] =	ssyncset.done $0x0  }
0xac: {  	s15 =	sadd.s32 $0x4000, s15;
	[sflag:s14] =	ssyncadd.s32 $0xFFFFD800  }
0xad: {  	[spmem:s1] =	stream.indirect.scatter.add.f32 [tilespmem:s12], [sflag:$0x2], $0x80, s15, s13, $0xb8;
	[tilespmem:$0x1E080] =	vst v63  }
0xae: {  	_ =	swait.ge [sflag:s10], $0x2800  }
0xaf: {  	s16 =	sshrl.u32 @!p0 s7, $0x3;
	[sflag:s10] =	ssyncset.done $0x0  }
0xb0: {  	s2 =	sadd.s32 $0x1, s2;
	s15 =	sshll.u32 @!p0 s19, $0x6;
	[sflag:s10] =	ssyncadd.s32 $0xFFFFD800  }
0xb1: {  	p1 =	sne.s32 s2, s25;
	s15 =	sor.u32 @!p0 $0x1C02, s15;
	[bflag:$0x0] =	sbarrier.arrive $0xFFFF  }
0xb2: {  	[hbm:s24], [sflag:s15] =	dma.local @!p0 [spmem:s16], $0x7D00  }
.Ltmp3:
0xb3: {  	_ = 	snop;
	(pc) =	sbr.rel @p1 .LBB2_1-.Ltmp3, $4  }
0xb4: {  	s15 =	simm.s32 @!p0 $0x2  }
0xb5: {  	_ =	swait.ge @!p0 [sflag:s15], $0x7D00  }
0xb6: {  	[sflag:s15] =	ssyncset.done @!p0 $0x0  }
0xb7: {  	[sflag:s15] =	ssyncadd.s32 @!p0 $0xFFFF8300  }
0xb8: {  	_ =	sfence.sel $0x180000  }
0xb9: {  	[bflag:$0x0] =	sbarrier.arrive $0xFFFF  }
0xba: {  	_ =	strace $0x9000004A  }
0xbb: {  	[bflag:$0x2] =	sbarrier.arrive $0xFFFF  }
0xbc: {  	p0 =	sne.s32 s19, $0x0;
	s0 =	rddreg [dreg:$0x2]  }
0xbd: {  	s0 =	sadd.s32 @!p0 $0x100000, s0  }
0xbe: {  	[sflag:s0] =	ssyncadd.tile.s32 @!p0 $0x1;
	_ =	shalt  }
.Lfunc_end2:
_tile_overlayer_lowered:
.L_overlay_start_2:
0xbf: {  	(tag) =	ssettag $0x2  }
0xc0: {  	s0 =	rddreg [dreg:$0x0];
	s2 =	stileid.u32  }
0xc1: {  	s1 =	rddreg [dreg:$0x1];
	p0 =	sne.s32 s2, $0x0  }
0xc2: {  	s3 =	rddreg [dreg:$0x2];
	[bflag:$0x3] =	sbarrier.arrive $0xFFFF;
	s2 =	simm.s32 @!p0 $0x1C02  }
0xc3: {  	[timem:s3], [sflag:s2] =	dma.local @!p0 [hbm:s0], s1  }
0xc4: {  	s0 =	simm.s32 @!p0 $0x2  }
0xc5: {  	_ =	swait.ge @!p0 [sflag:s0], s1  }
0xc6: {  	s1 =	ssub.s32 @!p0 $0x0, s1;
	[sflag:s0] =	ssyncset.done @!p0 $0x0  }
0xc7: {  	[sflag:s0] =	ssyncadd.s32 @!p0 s1  }
0xc8: {  	[bflag:$0x3] =	sbarrier.arrive $0xFFFF  }
0xc9: {  	_ =	shalt  }

// kernel: kernel.7.cloned.1.call-start
scs
__scs_entry_jumppad:
0x0: {  	(pc) =	sbr.rel $0x88, $3  }
0x1: {  	(tag) =	ssettag $0x0;
	lr =	simm.s32 $0x1  }
0x2: {  	[smem:$0x3F99] =	sst lr;
	_ =	strace $0xD0000000  }
0x3: {  	_ = 	snop  }
0x4: {  	_ = 	snop  }
0x5: {  	_ = 	snop  }
0x6: {  	_ = 	snop  }
0x7: {  	_ = 	snop  }
__scs_overlays_trampoline_lowered:
0x8: {  	[smem:$0x3FA8] =	sst s0  }
0x9: {  	[smem:$0x3FA9] =	sst s1  }
0xa: {  	[smem:$0x3FAA] =	sst s2  }
0xb: {  	[smem:$0x3FAB] =	sst s3  }
0xc: {  	[smem:$0x3FAC] =	sst s4  }
0xd: {  	[smem:$0x3FAD] =	sst s5  }
0xe: {  	[smem:$0x3FAE] =	sst s6  }
0xf: {  	[smem:$0x3FAF] =	sst s7  }
0x10: {  	[smem:$0x3FB0] =	sst s8  }
0x11: {  	[smem:$0x3FB1] =	sst s9;
	s0 =	simm.s32 @!p0 $0x0  }
0x12: {  	s1 =	sld [smem:$0x3F97];
	s0 =	simm.s32 @p0 $0x1  }
0x13: {  	[smem:$0x3FB2] =	sst s0;
	s0 =	simm.s32 @!p1 $0x0  }
0x14: {  	s2 =	sld [smem:$0x3F96];
	s0 =	simm.s32 @p1 $0x1  }
0x15: {  	[smem:$0x3FB3] =	sst s0;
	s0 =	simm.s32 @!p2 $0x0  }
0x16: {  	s3 =	sld [smem:$0x3FDB];
	s0 =	simm.s32 @p2 $0x1  }
0x17: {  	s4 =	simm.s32 $0x1BF5;
	[smem:$0x3FB5] =	sst s0  }
0x18: {  	s0 =	sld [smem:$0x3F98];
	_ =	swait.ge [sflag:s4], $0x0  }
0x19: {  	s7 =	sld [smem:$0x3F99]  }
0x1a: {  	s8 =	sadd.s32 $0xFFFFE003, lr  }
0x1b: {  	s9 =	sadd.s32 $0xFFFFFEF7, lr;
	s5 =	simm.s32 $0xFFFFFFFF;
	p2 =	slt.u32 s8, $0xFFFFF086  }
0x1c: {  	p1 =	slt.u32 s9, $0xF7A;
	s5 =	simm.s32 @!p2 $0x0  }
0x1d: {  	s5 =	simm.s32 @p1 $0x1;
	p0 =	seq.s32 s7, s2  }
0x1e: {  	s7 =	smul.u32 @!p0 $0xF7A, s2;
	p2 =	seq.s32 @!p0 s5, $0x0  }
0x1f: {  	s9 =	smul.u32 $0xF7A, s1;
	s8 =	simm.s32 @!p0 $0x1BF5;
	p2 =	por !p2, p0  }
0x20: {  	[sflag:s8] =	ssyncset.s32 @!p0 $0xFFFFF086;
	s6 =	sadd.s32 @!p0 s3, s7;
	s7 =	simm.s32 @!p0 $0x108  }
0x21: {  	s3 =	sadd.s32 s3, s9;
	s6 =	sadd.s32 @!p0 $0x88, s6;
	s7 =	simm.s32 @p2 $0x1082  }
0x22: {  	[simem:s7], [sflag:s8] =	dma.local @!p0 [hbm:s6], $0xF7A  }
0x23: {  	s9 =	sor.u32 $0xD0000000, s2;
	s6 =	simm.s32 $0x108;
	_ =	swait.ge @!p0 [sflag:s8], $0x0  }
0x24: {  	s3 =	sadd.s32 $0x88, s3;
	s6 =	simm.s32 @!p1 $0x1082;
	[sflag:s4] =	ssyncset.s32 $0xFFFFF086  }
0x25: {  	[simem:s6], [sflag:s4] =	dma.local [hbm:s3], $0xF7A  }
0x26: {  	[smem:$0x3F99] =	sst s1;
	(tag) =	ssettag s2;
	_ =	strace s9  }
0x27: {  	s1 =	sld [smem:$0x3FA9]  }
0x28: {  	s2 =	sld [smem:$0x3FAA]  }
0x29: {  	s4 =	sld [smem:$0x3FAC]  }
0x2a: {  	p0 =	seq.s32 s5, $0x0;
	s5 =	sld [smem:$0x3FAD]  }
0x2b: {  	s6 =	sld [smem:$0x3FAE]  }
0x2c: {  	s7 =	sld [smem:$0x3FAF]  }
0x2d: {  	s3 =	simm.s32 $0x108;
	s8 =	sld [smem:$0x3FB0]  }
0x2e: {  	s3 =	simm.s32 @!p0 $0x1082;
	s9 =	sld [smem:$0x3FB1]  }
0x2f: {  	lr =	sadd.s32 s0, s3;
	s0 =	sld [smem:$0x3FA8]  }
0x30: {  	s3 =	sld [smem:$0x3FAB]  }
0x31: {  	[smem:$0x3FB4] =	sst s10  }
0x32: {  	s10 =	sld [smem:$0x3FB2];
	_ =	sdelay $0x3  }
0x33: {  	p0 =	seq.s32 s10, $0x1;
	s10 =	sld [smem:$0x3FB4];
	_ =	sdelay $0x3  }
0x34: {  	[smem:$0x3FB4] =	sst s10  }
0x35: {  	s10 =	sld [smem:$0x3FB3];
	_ =	sdelay $0x3  }
0x36: {  	p1 =	seq.s32 s10, $0x1;
	s10 =	sld [smem:$0x3FB4];
	_ =	sdelay $0x3  }
0x37: {  	[smem:$0x3FB4] =	sst s10  }
0x38: {  	s10 =	sld [smem:$0x3FB5]  }
0x39: {  	_ = 	snop;
	(pc) =	sbr.ind lr, $3  }
0x3a: {  	_ = 	snop  }
0x3b: {  	_ = 	snop  }
0x3c: {  	p2 =	seq.s32 s10, $0x1;
	s10 =	sld [smem:$0x3FB4]  }
0x3d: {  	_ =	shalt  }
0x3e: {  	_ =	shalt  }
0x3f: {  	_ =	shalt  }
0x40: {  	_ =	shalt  }
0x41: {  	_ =	shalt  }
0x42: {  	_ =	shalt  }
0x43: {  	_ =	shalt  }
0x44: {  	_ =	shalt  }
0x45: {  	_ =	shalt  }
0x46: {  	_ =	shalt  }
0x47: {  	_ =	shalt  }
0x48: {  	_ =	shalt  }
0x49: {  	_ =	shalt  }
0x4a: {  	_ =	shalt  }
0x4b: {  	_ =	shalt  }
0x4c: {  	_ =	shalt  }
0x4d: {  	_ =	shalt  }
0x4e: {  	_ =	shalt  }
0x4f: {  	_ =	shalt  }
0x50: {  	_ =	shalt  }
0x51: {  	_ =	shalt  }
0x52: {  	_ =	shalt  }
0x53: {  	_ =	shalt  }
0x54: {  	_ =	shalt  }
0x55: {  	_ =	shalt  }
0x56: {  	_ =	shalt  }
0x57: {  	_ =	shalt  }
0x58: {  	_ =	shalt  }
0x59: {  	_ =	shalt  }
0x5a: {  	_ =	shalt  }
0x5b: {  	_ =	shalt  }
0x5c: {  	_ =	shalt  }
0x5d: {  	_ =	shalt  }
0x5e: {  	_ =	shalt  }
0x5f: {  	_ =	shalt  }
0x60: {  	_ =	shalt  }
0x61: {  	_ =	shalt  }
0x62: {  	_ =	shalt  }
0x63: {  	_ =	shalt  }
0x64: {  	_ =	shalt  }
0x65: {  	_ =	shalt  }
0x66: {  	_ =	shalt  }
0x67: {  	_ =	shalt  }
0x68: {  	_ =	shalt  }
0x69: {  	_ =	shalt  }
0x6a: {  	_ =	shalt  }
0x6b: {  	_ =	shalt  }
0x6c: {  	_ =	shalt  }
0x6d: {  	_ =	shalt  }
0x6e: {  	_ =	shalt  }
0x6f: {  	_ =	shalt  }
0x70: {  	_ =	shalt  }
0x71: {  	_ =	shalt  }
0x72: {  	_ =	shalt  }
0x73: {  	_ =	shalt  }
0x74: {  	_ =	shalt  }
0x75: {  	_ =	shalt  }
0x76: {  	_ =	shalt  }
0x77: {  	_ =	shalt  }
0x78: {  	_ =	shalt  }
0x79: {  	_ =	shalt  }
0x7a: {  	_ =	shalt  }
0x7b: {  	_ =	shalt  }
0x7c: {  	_ =	shalt  }
0x7d: {  	_ =	shalt  }
0x7e: {  	_ =	shalt  }
0x7f: {  	_ =	shalt  }
0x80: {  	_ =	shalt  }
0x81: {  	_ =	shalt  }
0x82: {  	_ =	shalt  }
0x83: {  	_ =	shalt  }
0x84: {  	_ =	shalt  }
0x85: {  	_ =	shalt  }
0x86: {  	_ =	shalt  }
0x87: {  	_ =	shalt  }
.Lfunc_end0:
.L_simem_size_0:
called_computation_lowered:
.L_overlay_start_0:
0x88: {  	s2 =	sld [smem:$0x3FD9]  }
0x89: {  	s3 =	sld [smem:$0x3FFE];
	_ =	sdelay $0x1  }
0x8a: {  	s1 =	srdreg.scid  }
0x8b: {  	s0 =	sand.u32 $0x1, s1  }
0x8c: {  	s16 =	sshll.u32 s0, $0xA;
	s2 =	sadd.s32 s3, s2  }
0x8d: {  	s2 =	sadd.s32 s2, s16  }
0x8e: {  	[smem:$0x3FC0] =	sst s2  }
0x8f: {  	_ = 	snop  }
0x90: {  	(tm) =	ssettm $0x1  }
0x91: {  	s17 =	sld [smem:$0x3FFB];
	_ =	sdelay $0x3  }
0x92: {  	_ =	strace s17  }
0x93: {  	s2 =	sld [smem:$0x3FFC];
	_ =	sdelay $0x3  }
0x94: {  	_ =	strace s2  }
0x95: {  	s2 =	sld [smem:$0x3FFD];
	_ =	sdelay $0x3  }
0x96: {  	_ =	strace s2  }
0x97: {  	_ =	strace $0x8FFFFFFF  }
0x98: {  	s18 =	sld [smem:$0x3FDB];
	_ =	sdelay $0x1  }
0x99: {  	s19 =	simm.s32 $_scs_section_size  }
0x9a: {  	s4 =	simm.s32 $_size__tile_overlayer_lowered;
	s5 =	simm.s32 $_tile_overlayer_lowered  }
0x9b: {  	s22 =	simm.s32 $0x1BFF;
	s21 =	sshll.u32 s5, $0x1;
	s2 =	sadd.s32 s19, s18  }
0x9c: {  	s6 =	simm.s32 $0x0;
	s20 =	sshll.u32 s4, $0x1;
	s4 =	sadd.s32 s21, s2  }
0x9d: {  	[timem:s6], [sflag:s22] =	dma.local [hbm:s4], s20  }
0x9e: {  	_ =	swait.ge [sflag:s22], s20  }
0x9f: {  	s3 =	ssub.s32 $0x0, s20;
	[sflag:s22] =	ssyncset.done $0x0  }
0xa0: {  	[sflag:s22] =	ssyncadd.s32 s3;
	_ =	sdelay $0x1  }
0xa1: {  	s23 =	simm.s32 $0x1B8B  }
0xa2: {  	_ =	swait.ge [sflag:s23], $0x1  }
0xa3: {  	[sflag:s23] =	ssyncset.done $0x0  }
0xa4: {  	s25 =	simm.s32 $0x1B8E;
	s24 =	sld [smem:$0x3FFE];
	[sflag:s23] =	ssyncadd.s32 $0xFFFFFFFF  }
0xa5: {  	s26 =	simm.s32 $execute0_lowered;
	[smem:$0x3FD2] =	sst s25  }
0xa6: {  	s4 =	sshll.u32 s26, $0x1;
	_ =	strace $0x80000046;
	[dreg:$0x1] =	wrdreg $0xFFFFFFFF  }
0xa7: {  	s28 =	simm.s32 $_size_execute0_lowered;
	s2 =	sadd.s32 s2, s4;
	[dreg:$0x0] =	wrdreg $0x0  }
0xa8: {  	s4 =	sshll.u32 s28, $0x1;
	[dreg:$0x2] =	wrdreg s2  }
0xa9: {  	[dreg:$0x3] =	wrdreg s4  }
0xaa: {  	[dreg:$0x4] =	wrdreg $0xC0  }
0xab: {  	_ =	task [dreg:s6], $0x5FFFF  }
0xac: {  	[dreg:$0x1] =	wrdreg $0xFFFFFFFF  }
0xad: {  	[dreg:$0x0] =	wrdreg $0x60  }
0xae: {  	[dreg:$0x2] =	wrdreg s24  }
0xaf: {  	[dreg:$0x3] =	wrdreg $0xA8000  }
0xb0: {  	[dreg:$0x4] =	wrdreg $0x9  }
0xb1: {  	_ =	task.clear_ibuf [dreg:s6], $0x5FFFF;
	_ =	strace $0x90000046  }
0xb2: {  	s29 =	simm.s32 $0x9;
	_ =	strace $0x80000048  }
0xb3: {  	_ =	swait.ge [sflag:s29], $0x1  }
0xb4: {  	[sflag:s29] =	ssyncadd.s32 $0xFFFFFFFF  }
0xb5: {  	_ =	strace $0x90000048  }
0xb6: {  	_ =	sfence  }
0xb7: {  	s30 =	sld [smem:$0x0];
	_ =	sdelay $0x2  }
0xb8: {  	s31 =	sshll.u32 s1, $0xD;
	s1 =	sshrl.u32 s1, $0x2  }
0xb9: {  	s3 =	sand.u32 $0x4000, s31;
	s1 =	sadd.s32 s1, s30  }
0xba: {  	s0 =	sor.u32 s3, s0;
	s1 =	sshll.u32 s1, $0x11  }
0xbb: {  	s0 =	sor.u32 s1, s0  }
0xbc: {  	s0 =	sadd.s32 $0x8F2B, s0  }
0xbd: {  	[sflag:s0] =	ssyncadd.remote.s32 $0x1  }
0xbe: {  	_ =	sfence.sel $0xFFFF  }
0xbf: {  	[dreg:$0x0] =	wrdreg $0xFFFFFFFF;
	(pc) =	sbr.abs _section_cstart, $3  }
0xc0: {  	[dreg:$0x1] =	wrdreg $0xFFFFFFFF  }
0xc1: {  	_ =	task.clear_ibuf [dreg:s6], $0x2FFFF;
	_ =	strace $0x9FFFFFFF  }
0xc2: {  	(tm) =	ssettm $0x7FFFFFFF  }
0xc3: {  	_ =	shalt  }
tec
execute0_lowered:
.L_overlay_start_1:
0x0: {  	(tag) =	ssettag $0x1  }
0x1: {  	s0 =	rddreg [dreg:$0x0]  }
0x2: {  	s1 =	rddreg [dreg:$0x1];
	s3 =	simm.s32 $0x0  }
0x3: {  	s2 =	srdreg.scid;
	s9 =	stileid.u32;
	s10 =	simm.s32 $0x2  }
0x4: {  	s11 =	simm.s32 $0x4000;
	s12 =	simm.s32 $0x8000;
	s8 =	smul.u32 $0x3E800, s9  }
0x5: {  	[smem:$0x7FF] =	sst s3;
	s2 =	sand.u32 $0x1, s2;
	s13 =	smul.u32 $0xFA000, s9  }
0x6: {  	s7 =	sshll.u32 s9, $0xB;
	s4 =	sadd.s32 $0x21A00, s0;
	s5 =	smul.u32 $0x138800, s2  }
0x7: {  	p0 =	sgt.u32 s9, $0x4;
	s6 =	sshll.u32 s2, $0xF;
	_ =	strace $0x80000047  }
0x8: {  	s2 =	ssub.s32 $0x2, s2;
	s6 =	sor.u32 s7, s6;
	s7 =	sshrl.u32 s13, $0x2  }
0x9: {  	s14 =	sshrl.u32 s2, $0x1;
	s13 =	simm.s32 $0x50;
	s7 =	sadd.s32 s7, s1  }
0xa: {  	s5 =	sadd.s32 s8, s5;
	s6 =	sadd.s32 s6, s0;
	s15 =	sadd.s32 $0x2800, s7  }
0xb: {  	s2 =	ssub.s32 s2, s14;
	s16 =	sadd.s32 $0x5000, s7;
	[dreg:$0x3] =	wrdreg s15  }
0xc: {  	s14 =	simm.s32 $0x1;
	s17 =	sadd.s32 $0x7800, s7;
	[dreg:$0x4] =	wrdreg s16  }
0xd: {  	s5 =	sshrl.u32 s5, $0x3;
	s18 =	sadd.s32 $0xA000, s7;
	[dreg:$0x5] =	wrdreg s17  }
0xe: {  	s19 =	sadd.s32 $0xC800, s7;
	s20 =	sadd.s32 $0xF000, s7;
	[dreg:$0x6] =	wrdreg s18  }
0xf: {  	s21 =	sadd.s32 $0x11800, s7;
	s22 =	sadd.s32 $0x14000, s7;
	[dreg:$0x7] =	wrdreg s19  }
0x10: {  	s23 =	sadd.s32 $0x16800, s7;
	s24 =	sadd.s32 $0x19000, s7;
	[dreg:$0x8] =	wrdreg s20  }
0x11: {  	s25 =	sadd.s32 $0x1B800, s7;
	s26 =	sadd.s32 $0x1E000, s7;
	[dreg:$0x9] =	wrdreg s21  }
0x12: {  	s28 =	sadd.s32 $0x2D000, s7;
	s29 =	sadd.s32 $0x2F800, s7;
	[dreg:$0xa] =	wrdreg s22  }
0x13: {  	s30 =	sadd.s32 $0x32000, s7;
	s31 =	sadd.s32 $0x34800, s7;
	[dreg:$0xb] =	wrdreg s23  }
0x14: {  	s8 =	sadd.s32 $0x39800, s7;
	s9 =	sadd.s32 $0x3C000, s7;
	[dreg:$0xc] =	wrdreg s24  }
0x15: {  	s0 =	sadd.s32 s5, s0;
	s5 =	sadd.s32 $0x1A00, s6;
	[dreg:$0xd] =	wrdreg s25  }
0x16: {  	s6 =	sadd.s32 $0x11A00, s6;
	[dreg:$0xe] =	wrdreg s26;
	s20 =	sadd.s32 $0x20800, s7  }
0x17: {  	s21 =	sadd.s32 $0x23000, s7;
	s22 =	sadd.s32 $0x25800, s7;
	s23 =	sadd.s32 $0x28000, s7  }
0x18: {  	s25 =	smax.u32 s2, $0x1;
	s19 =	stileid.u32;
	s26 =	sadd.s32 $0x2A800, s7  }
0x19: {  	v0 =	vimm.f32 $0.0e+00;
	s2 =	simm.s32 $0x0;
	s24 =	sadd.s32 $0x48C00, s0;
	s0 =	sadd.s32 $0x37000, s7  }
.LBB2_1:
0x1a: {  	[tilespmem:s3], [sflag:$0x2] =	stream.linear.gather [hbm4b:s5+s3], $0x3E80, $0x38;
	[tilespmem:$0x1E080] =	vst v63  }
0x1b: {  	_ =	swait.ge [sflag:s10], $0x3E80  }
0x1c: {  	[sflag:s10] =	ssyncset.done $0x0  }
.Ltmp0:
0x1d: {  	[sflag:s10] =	ssyncadd.s32 $0xFFFFC180;
	(pc) =	sbr.rel @p0 .LBB2_5-.Ltmp0, $4  }
0x1e: {  	[tilespmem:s11], [sflag:$0x2] =	stream.linear.gather [hbm4b:s6+s3], $0x3E80, $0x38;
	[tilespmem:$0x1E080] =	vst v63  }
0x1f: {  	_ =	swait.ge [sflag:s10], $0x3E80  }
0x20: {  	[sflag:s10] =	ssyncset.done $0x0  }
0x21: {  	[sflag:s10] =	ssyncadd.s32 $0xFFFFC180  }
0x22: {  	s15 =	sshra.s32 s3, $0x2;
	s16 =	sadd.s32 $0x200, s3  }
.LBB2_3:
0x23: {  	p1 =	sne.s32 s16, $0x9E00;
	[tilespmem:s15+$0x8070] =	vst v0  }
0x24: {  	[tilespmem:s15+$0x8000] =	vst v0  }
0x25: {  	[tilespmem:s15+$0x8010] =	vst v0  }
.Ltmp1:
0x26: {  	[tilespmem:s15+$0x8020] =	vst v0;
	(pc) =	sbr.rel @p1 .LBB2_3-.Ltmp1, $4  }
0x27: {  	[tilespmem:s15+$0x8030] =	vst v0  }
0x28: {  	[tilespmem:s15+$0x8040] =	vst v0  }
0x29: {  	[tilespmem:s15+$0x8050] =	vst v0  }
0x2a: {  	[tilespmem:s15+$0x8060] =	vst v0;
	s15 =	sshra.s32 s16, $0x2;
	s16 =	sadd.s32 $0x200, s16  }
0x2b: {  	[tilespmem:s15+$0x8070] =	vst v0  }
0x2c: {  	[tilespmem:s15+$0x8000] =	vst v0  }
0x2d: {  	[tilespmem:s15+$0x8010] =	vst v0  }
0x2e: {  	[tilespmem:s15+$0x8020] =	vst v0  }
0x2f: {  	[tilespmem:s15+$0x8030] =	vst v0  }
0x30: {  	[tilespmem:s15+$0x8040] =	vst v0  }
0x31: {  	[tilespmem:s15+$0x8050] =	vst v0  }
0x32: {  	[tilespmem:s15+$0x8060] =	vst v0  }
0x33: {  	[spmem:s7] =	stream.linear.scatter [tilespmem:s12], [sflag:$0x2], $0x2800, $0x38;
	[tilespmem:$0x1E080] =	vst v63  }
0x34: {  	_ =	swait.ge [sflag:s10], $0x2800  }
0x35: {  	[sflag:s10] =	ssyncset.done $0x0  }
0x36: {  	s16 =	rddreg [dreg:$0x3];
	[sflag:s10] =	ssyncadd.s32 $0xFFFFD800  }
0x37: {  	[spmem:s16] =	stream.linear.scatter [tilespmem:s12], [sflag:$0x2], $0x2800, $0x38;
	[tilespmem:$0x1E080] =	vst v63  }
0x38: {  	_ =	swait.ge [sflag:s10], $0x2800  }
0x39: {  	[sflag:s10] =	ssyncset.done $0x0  }
0x3a: {  	s17 =	rddreg [dreg:$0x4];
	[sflag:s10] =	ssyncadd.s32 $0xFFFFD800  }
0x3b: {  	[spmem:s17] =	stream.linear.scatter [tilespmem:s12], [sflag:$0x2], $0x2800, $0x38;
	[tilespmem:$0x1E080] =	vst v63  }
0x3c: {  	_ =	swait.ge [sflag:s10], $0x2800  }
0x3d: {  	[sflag:s10] =	ssyncset.done $0x0  }
0x3e: {  	s18 =	rddreg [dreg:$0x5];
	[sflag:s10] =	ssyncadd.s32 $0xFFFFD800  }
0x3f: {  	[spmem:s18] =	stream.linear.scatter [tilespmem:s12], [sflag:$0x2], $0x2800, $0x38;
	[tilespmem:$0x1E080] =	vst v63  }
0x40: {  	_ =	swait.ge [sflag:s10], $0x2800  }
0x41: {  	[sflag:s10] =	ssyncset.done $0x0  }
0x42: {  	s16 =	rddreg [dreg:$0x6];
	[sflag:s10] =	ssyncadd.s32 $0xFFFFD800  }
0x43: {  	[spmem:s16] =	stream.linear.scatter [tilespmem:s12], [sflag:$0x2], $0x2800, $0x38;
	[tilespmem:$0x1E080] =	vst v63  }
0x44: {  	_ =	swait.ge [sflag:s10], $0x2800  }
0x45: {  	[sflag:s10] =	ssyncset.done $0x0  }
0x46: {  	s17 =	rddreg [dreg:$0x7];
	[sflag:s10] =	ssyncadd.s32 $0xFFFFD800  }
0x47: {  	[spmem:s17] =	stream.linear.scatter [tilespmem:s12], [sflag:$0x2], $0x2800, $0x38;
	[tilespmem:$0x1E080] =	vst v63  }
0x48: {  	_ =	swait.ge [sflag:s10], $0x2800  }
0x49: {  	[sflag:s10] =	ssyncset.done $0x0  }
0x4a: {  	s18 =	rddreg [dreg:$0x8];
	[sflag:s10] =	ssyncadd.s32 $0xFFFFD800  }
0x4b: {  	[spmem:s18] =	stream.linear.scatter [tilespmem:s12], [sflag:$0x2], $0x2800, $0x38;
	[tilespmem:$0x1E080] =	vst v63  }
0x4c: {  	_ =	swait.ge [sflag:s10], $0x2800  }
0x4d: {  	[sflag:s10] =	ssyncset.done $0x0  }
0x4e: {  	s16 =	rddreg [dreg:$0x9];
	[sflag:s10] =	ssyncadd.s32 $0xFFFFD800  }
0x4f: {  	[spmem:s16] =	stream.linear.scatter [tilespmem:s12], [sflag:$0x2], $0x2800, $0x38;
	[tilespmem:$0x1E080] =	vst v63  }
0x50: {  	_ =	swait.ge [sflag:s10], $0x2800  }
0x51: {  	[sflag:s10] =	ssyncset.done $0x0  }
0x52: {  	s17 =	rddreg [dreg:$0xa];
	[sflag:s10] =	ssyncadd.s32 $0xFFFFD800  }
0x53: {  	[spmem:s17] =	stream.linear.scatter [tilespmem:s12], [sflag:$0x2], $0x2800, $0x38;
	[tilespmem:$0x1E080] =	vst v63  }
0x54: {  	_ =	swait.ge [sflag:s10], $0x2800  }
0x55: {  	[sflag:s10] =	ssyncset.done $0x0  }
0x56: {  	s18 =	rddreg [dreg:$0xb];
	[sflag:s10] =	ssyncadd.s32 $0xFFFFD800  }
0x57: {  	[spmem:s18] =	stream.linear.scatter [tilespmem:s12], [sflag:$0x2], $0x2800, $0x38;
	[tilespmem:$0x1E080] =	vst v63  }
0x58: {  	_ =	swait.ge [sflag:s10], $0x2800  }
0x59: {  	[sflag:s10] =	ssyncset.done $0x0  }
0x5a: {  	s16 =	rddreg [dreg:$0xc];
	[sflag:s10] =	ssyncadd.s32 $0xFFFFD800  }
0x5b: {  	[spmem:s16] =	stream.linear.scatter [tilespmem:s12], [sflag:$0x2], $0x2800, $0x38;
	[tilespmem:$0x1E080] =	vst v63  }
0x5c: {  	_ =	swait.ge [sflag:s10], $0x2800  }
0x5d: {  	[sflag:s10] =	ssyncset.done $0x0  }
0x5e: {  	s17 =	rddreg [dreg:$0xd];
	[sflag:s10] =	ssyncadd.s32 $0xFFFFD800  }
0x5f: {  	[spmem:s17] =	stream.linear.scatter [tilespmem:s12], [sflag:$0x2], $0x2800, $0x38;
	[tilespmem:$0x1E080] =	vst v63  }
0x60: {  	_ =	swait.ge [sflag:s10], $0x2800  }
0x61: {  	[sflag:s10] =	ssyncset.done $0x0  }
0x62: {  	s18 =	rddreg [dreg:$0xe];
	[sflag:s10] =	ssyncadd.s32 $0xFFFFD800  }
0x63: {  	[spmem:s18] =	stream.linear.scatter [tilespmem:s12], [sflag:$0x2], $0x2800, $0x38;
	[tilespmem:$0x1E080] =	vst v63  }
0x64: {  	_ =	swait.ge [sflag:s10], $0x2800  }
0x65: {  	[sflag:s10] =	ssyncset.done $0x0  }
0x66: {  	[sflag:s10] =	ssyncadd.s32 $0xFFFFD800  }
0x67: {  	[spmem:s20] =	stream.linear.scatter [tilespmem:s12], [sflag:$0x2], $0x2800, $0x38;
	[tilespmem:$0x1E080] =	vst v63  }
0x68: {  	_ =	swait.ge [sflag:s10], $0x2800  }
0x69: {  	[sflag:s10] =	ssyncset.done $0x0  }
0x6a: {  	[sflag:s10] =	ssyncadd.s32 $0xFFFFD800  }
0x6b: {  	[spmem:s21] =	stream.linear.scatter [tilespmem:s12], [sflag:$0x2], $0x2800, $0x38;
	[tilespmem:$0x1E080] =	vst v63  }
0x6c: {  	_ =	swait.ge [sflag:s10], $0x2800  }
0x6d: {  	[sflag:s10] =	ssyncset.done $0x0  }
0x6e: {  	[sflag:s10] =	ssyncadd.s32 $0xFFFFD800  }
0x6f: {  	[spmem:s22] =	stream.linear.scatter [tilespmem:s12], [sflag:$0x2], $0x2800, $0x38;
	[tilespmem:$0x1E080] =	vst v63  }
0x70: {  	_ =	swait.ge [sflag:s10], $0x2800  }
0x71: {  	[sflag:s10] =	ssyncset.done $0x0  }
0x72: {  	[sflag:s10] =	ssyncadd.s32 $0xFFFFD800  }
0x73: {  	[spmem:s23] =	stream.linear.scatter [tilespmem:s12], [sflag:$0x2], $0x2800, $0x38;
	[tilespmem:$0x1E080] =	vst v63  }
0x74: {  	_ =	swait.ge [sflag:s10], $0x2800  }
0x75: {  	[sflag:s10] =	ssyncset.done $0x0  }
0x76: {  	[sflag:s10] =	ssyncadd.s32 $0xFFFFD800  }
0x77: {  	[spmem:s26] =	stream.linear.scatter [tilespmem:s12], [sflag:$0x2], $0x2800, $0x38;
	[tilespmem:$0x1E080] =	vst v63  }
0x78: {  	_ =	swait.ge [sflag:s10], $0x2800  }
0x79: {  	[sflag:s10] =	ssyncset.done $0x0  }
0x7a: {  	[sflag:s10] =	ssyncadd.s32 $0xFFFFD800  }
0x7b: {  	[spmem:s28] =	stream.linear.scatter [tilespmem:s12], [sflag:$0x2], $0x2800, $0x38;
	[tilespmem:$0x1E080] =	vst v63  }
0x7c: {  	_ =	swait.ge [sflag:s10], $0x2800  }
0x7d: {  	[sflag:s10] =	ssyncset.done $0x0  }
0x7e: {  	[sflag:s10] =	ssyncadd.s32 $0xFFFFD800  }
0x7f: {  	[spmem:s29] =	stream.linear.scatter [tilespmem:s12], [sflag:$0x2], $0x2800, $0x38;
	[tilespmem:$0x1E080] =	vst v63  }
0x80: {  	_ =	swait.ge [sflag:s10], $0x2800  }
0x81: {  	[sflag:s10] =	ssyncset.done $0x0  }
0x82: {  	[sflag:s10] =	ssyncadd.s32 $0xFFFFD800  }
0x83: {  	[spmem:s30] =	stream.linear.scatter [tilespmem:s12], [sflag:$0x2], $0x2800, $0x38;
	[tilespmem:$0x1E080] =	vst v63  }
0x84: {  	_ =	swait.ge [sflag:s10], $0x2800  }
0x85: {  	[sflag:s10] =	ssyncset.done $0x0  }
0x86: {  	[sflag:s10] =	ssyncadd.s32 $0xFFFFD800  }
0x87: {  	[spmem:s31] =	stream.linear.scatter [tilespmem:s12], [sflag:$0x2], $0x2800, $0x38;
	[tilespmem:$0x1E080] =	vst v63  }
0x88: {  	_ =	swait.ge [sflag:s10], $0x2800  }
0x89: {  	[sflag:s10] =	ssyncset.done $0x0  }
0x8a: {  	[sflag:s10] =	ssyncadd.s32 $0xFFFFD800  }
0x8b: {  	[spmem:s0] =	stream.linear.scatter [tilespmem:s12], [sflag:$0x2], $0x2800, $0x38;
	[tilespmem:$0x1E080] =	vst v63  }
0x8c: {  	_ =	swait.ge [sflag:s10], $0x2800  }
0x8d: {  	[sflag:s10] =	ssyncset.done $0x0  }
0x8e: {  	[sflag:s10] =	ssyncadd.s32 $0xFFFFD800  }
0x8f: {  	[spmem:s8] =	stream.linear.scatter [tilespmem:s12], [sflag:$0x2], $0x2800, $0x38;
	[tilespmem:$0x1E080] =	vst v63  }
0x90: {  	_ =	swait.ge [sflag:s10], $0x2800  }
0x91: {  	[sflag:s10] =	ssyncset.done $0x0  }
0x92: {  	[sflag:s10] =	ssyncadd.s32 $0xFFFFD800  }
0x93: {  	[spmem:s9] =	stream.linear.scatter [tilespmem:s12], [sflag:$0x2], $0x2800, $0x38;
	[tilespmem:$0x1E080] =	vst v63  }
0x94: {  	_ =	swait.ge [sflag:s10], $0x2800  }
0x95: {  	[sflag:s10] =	ssyncset.done $0x0  }
0x96: {  	[sflag:s10] =	ssyncadd.s32 $0xFFFFD800  }
.LBB2_5:
0x97: {  	[bflag:$0x0] =	sbarrier.arrive $0xFFFF;
	s15 =	simm.s32 $0x0  }
0x98: {  	[tilespmem:s12], [sflag:$0x1] =	stream.indirect.gather [hbm4b:s4+s13], $0x80, s15, s13, $0xb8;
	[tilespmem:$0x1E080] =	vst v63  }
0x99: {  	_ =	swait.ge [sflag:s14], $0x2800  }
0x9a: {  	[sflag:s14] =	ssyncset.done $0x0  }
0x9b: {  	s18 =	simm.s32 $0x4000;
	[sflag:s14] =	ssyncadd.s32 $0xFFFFD800  }
0x9c: {  	[spmem:s1] =	stream.indirect.scatter.add.f32 [tilespmem:s12], [sflag:$0x2], $0x80, s18, s13, $0xb8;
	[tilespmem:$0x1E080] =	vst v63  }
0x9d: {  	_ =	swait.ge [sflag:s10], $0x2800  }
0x9e: {  	s16 =	simm.s32 $0x400;
	s15 =	simm.s32 $0x200;
	[sflag:s10] =	ssyncset.done $0x0  }
.LBB2_6:
0x9f: {  	s17 =	sshra.s32 s15, $0x2  }
0xa0: {  	[sflag:s10] =	ssyncadd.s32 $0xFFFFD800;
	s15 =	smov.u32 s16;
	s18 =	sadd.s32 $0x200, s16  }
0xa1: {  	[tilespmem:s12], [sflag:$0x1] =	stream.indirect.gather [hbm4b:s4+s13], $0x80, s17, s13, $0xb8;
	[tilespmem:$0x1E080] =	vst v63  }
0xa2: {  	p1 =	sne.s32 s16, $0xF800;
	_ =	swait.ge [sflag:s14], $0x2800  }
.Ltmp2:
0xa3: {  	[sflag:s14] =	ssyncset.done $0x0;
	(pc) =	sbr.rel @p1 .LBB2_6-.Ltmp2, $4  }
0xa4: {  	s16 =	sadd.s32 $0x4000, s17;
	[sflag:s14] =	ssyncadd.s32 $0xFFFFD800  }
0xa5: {  	[spmem:s1] =	stream.indirect.scatter.add.f32 [tilespmem:s12], [sflag:$0x2], $0x80, s16, s13, $0xb8;
	[tilespmem:$0x1E080] =	vst v63  }
0xa6: {  	_ =	swait.ge [sflag:s10], $0x2800  }
0xa7: {  	s16 =	smov.u32 s18;
	[sflag:s10] =	ssyncset.done $0x0  }
0xa8: {  	s15 =	sshra.s32 s15, $0x2;
	[sflag:s10] =	ssyncadd.s32 $0xFFFFD800  }
0xa9: {  	[tilespmem:s12], [sflag:$0x1] =	stream.indirect.gather [hbm4b:s4+s13], $0x80, s15, s13, $0xb8;
	[tilespmem:$0x1E080] =	vst v63  }
0xaa: {  	_ =	swait.ge [sflag:s14], $0x2800  }
0xab: {  	[sflag:s14] =	ssyncset.done $0x0  }
0xac: {  	s15 =	sadd.s32 $0x4000, s15;
	[sflag:s14] =	ssyncadd.s32 $0xFFFFD800  }
0xad: {  	[spmem:s1] =	stream.indirect.scatter.add.f32 [tilespmem:s12], [sflag:$0x2], $0x80, s15, s13, $0xb8;
	[tilespmem:$0x1E080] =	vst v63  }
0xae: {  	_ =	swait.ge [sflag:s10], $0x2800  }
0xaf: {  	s16 =	sshrl.u32 @!p0 s7, $0x3;
	[sflag:s10] =	ssyncset.done $0x0  }
0xb0: {  	s2 =	sadd.s32 $0x1, s2;
	s15 =	sshll.u32 @!p0 s19, $0x6;
	[sflag:s10] =	ssyncadd.s32 $0xFFFFD800  }
0xb1: {  	p1 =	sne.s32 s2, s25;
	s15 =	sor.u32 @!p0 $0x1C02, s15;
	[bflag:$0x0] =	sbarrier.arrive $0xFFFF  }
0xb2: {  	[hbm:s24], [sflag:s15] =	dma.local @!p0 [spmem:s16], $0x7D00  }
.Ltmp3:
0xb3: {  	_ = 	snop;
	(pc) =	sbr.rel @p1 .LBB2_1-.Ltmp3, $4  }
0xb4: {  	s15 =	simm.s32 @!p0 $0x2  }
0xb5: {  	_ =	swait.ge @!p0 [sflag:s15], $0x7D00  }
0xb6: {  	[sflag:s15] =	ssyncset.done @!p0 $0x0  }
0xb7: {  	[sflag:s15] =	ssyncadd.s32 @!p0 $0xFFFF8300  }
0xb8: {  	_ =	sfence.sel $0x180000  }
0xb9: {  	[bflag:$0x0] =	sbarrier.arrive $0xFFFF  }
0xba: {  	_ =	strace $0x90000047  }
0xbb: {  	[bflag:$0x2] =	sbarrier.arrive $0xFFFF  }
0xbc: {  	p0 =	sne.s32 s19, $0x0;
	s0 =	rddreg [dreg:$0x2]  }
0xbd: {  	s0 =	sadd.s32 @!p0 $0x100000, s0  }
0xbe: {  	[sflag:s0] =	ssyncadd.tile.s32 @!p0 $0x1;
	_ =	shalt  }
.Lfunc_end2:
_tile_overlayer_lowered:
.L_overlay_start_2:
0xbf: {  	(tag) =	ssettag $0x2  }
0xc0: {  	s0 =	rddreg [dreg:$0x0];
	s2 =	stileid.u32  }
0xc1: {  	s1 =	rddreg [dreg:$0x1];
	p0 =	sne.s32 s2, $0x0  }
0xc2: {  	s3 =	rddreg [dreg:$0x2];
	[bflag:$0x3] =	sbarrier.arrive $0xFFFF;
	s2 =	simm.s32 @!p0 $0x1C02  }
0xc3: {  	[timem:s3], [sflag:s2] =	dma.local @!p0 [hbm:s0], s1  }
0xc4: {  	s0 =	simm.s32 @!p0 $0x2  }
0xc5: {  	_ =	swait.ge @!p0 [sflag:s0], s1  }
0xc6: {  	s1 =	ssub.s32 @!p0 $0x0, s1;
	[sflag:s0] =	ssyncset.done @!p0 $0x0  }
0xc7: {  	[sflag:s0] =	ssyncadd.s32 @!p0 s1  }
0xc8: {  	[bflag:$0x3] =	sbarrier.arrive $0xFFFF  }
0xc9: {  	_ =	shalt  }

</sc_bundles>
